<compile_context>
chip_gen: v7x
topology: tpu7x:2x2x1
jax: 0.10.2.dev20260603
libtpu: 0.0.44.dev20260713+nightly
codegen_flags: <defaults>
</compile_context>

<pallas_src>
import functools

import jax
import jax.numpy as jnp
from jax import lax
from jax.experimental import pallas as pl
from jax.experimental.pallas import tpu as pltpu
from jax.experimental.pallas import tpu_sc as plsc

_B, _C, _H, _W = 64, 768, 24, 24
_HW = _H * _W
_HIDDEN = 192
_NE = 8

_B_SC = 16
_B_TC = _B - _B_SC
_ROWS = 8
_TPR = 32 // _B_SC
_NG = 72 // _TPR
_GC = 9
_NCHUNK = 1
_LTILES = _C // 128


def _tc_pool_kernel(x_ref, out_ref):
    out_ref[:, :] = jnp.sum(x_ref[:, :, :], axis=1) * (1.0 / _HW)


def _sc_pool_body(x_hbm, out_hbm, buf0, buf1, acc, sem0, sem1):
    wid = lax.axis_index("s") * 2 + lax.axis_index("c")
    r = wid // _TPR
    h = wid % _TPR
    b = _B_TC + r
    g0 = h * _NG

    bufs = (buf0, buf1)
    sems = (sem0, sem1)

    def _accum(buf, first):
        @plsc.parallel_loop(0, _C // 16, 1)
        def _slice_body(m):
            j = m // 8
            i = pl.multiple_of((m % 8) * 16, 16)
            vals = [buf[k, j, s, pl.ds(i, 16)]
                    for k in range(_GC) for s in range(8)]
            while len(vals) > 1:
                pairs = [a + b for a, b in zip(vals[::2], vals[1::2])]
                if len(vals) % 2:
                    pairs.append(vals[-1])
                vals = pairs
            dst = acc.at[pl.ds(pl.multiple_of(m * 16, 16), 16)]
            if first:
                dst[...] = vals[0]
            else:
                plsc.addupdate(dst, vals[0])

    d = pltpu.async_copy(x_hbm.at[b, pl.ds(g0, _GC)], bufs[0], sems[0])
    for c in range(_NCHUNK):
        d_next = None
        if c + 1 < _NCHUNK:
            d_next = pltpu.async_copy(
                x_hbm.at[b, pl.ds(g0 + (c + 1) * _GC, _GC)],
                bufs[(c + 1) % 2], sems[(c + 1) % 2])
        d.wait()
        _accum(bufs[c % 2], c == 0)
        d = d_next

    a = h * 2 + r // 8
    s = r % 8
    for j in range(_LTILES):
        pltpu.sync_copy(acc.at[pl.ds(j * 128, 128)], out_hbm.at[a, j, s])


_sc_pool = functools.partial(
    pl.kernel,
    out_type=jax.ShapeDtypeStruct((2 * _B_SC // 8, _LTILES, 8, 128),
                                  jnp.float32),
    mesh=plsc.VectorSubcoreMesh(core_axis_name="c", subcore_axis_name="s"),
    scratch_types=[
        pltpu.VMEM((_GC, _LTILES, 8, 128), jnp.float32),
        pltpu.VMEM((_GC, _LTILES, 8, 128), jnp.float32),
        pltpu.VMEM((_C,), jnp.float32),
        pltpu.SemaphoreType.DMA,
        pltpu.SemaphoreType.DMA,
    ],
)(_sc_pool_body)


def _router_kernel(ptc_ref, psc_ref, w1_ref, b1_ref, w2_ref, b2_ref,
                   idx_ref, wgt_ref):
    psc = (psc_ref[0:_B_SC, :] + psc_ref[_B_SC:2 * _B_SC, :]) * (1.0 / _HW)
    pooled = jnp.concatenate([ptc_ref[:, :], psc], axis=0)
    h = jnp.dot(pooled, w1_ref[:, :],
                preferred_element_type=jnp.float32) + b1_ref[0]
    h = 0.5 * h * (1.0 + jax.lax.erf(h * (2.0 ** -0.5)))
    logits = jnp.dot(h, w2_ref[:, :],
                     preferred_element_type=jnp.float32) + b2_ref[0]

    eidx = jax.lax.broadcasted_iota(jnp.int32, (_B, _NE), 1)
    m1 = jnp.max(logits, axis=-1, keepdims=True)
    i1 = jnp.min(jnp.where(logits == m1, eidx, _NE), axis=-1, keepdims=True)
    masked = jnp.where(eidx == i1, -jnp.inf, logits)
    m2 = jnp.max(masked, axis=-1, keepdims=True)
    i2 = jnp.min(jnp.where(masked == m2, eidx, _NE), axis=-1, keepdims=True)

    e2 = jnp.exp(m2 - m1)
    denom = 1.0 + e2
    idx_ref[:, :] = jnp.concatenate([i1, i2], axis=1)
    wgt_ref[:, :] = jnp.concatenate([1.0 / denom, e2 / denom], axis=1)


@functools.partial(jax.jit, static_argnames=())
def kernel(x, W1, b1, W2, b2):
    xt = jnp.transpose(x, (0, 2, 3, 1)).reshape(_B, _HW, _C)

    pooled_tc = pl.pallas_call(
        _tc_pool_kernel,
        grid=(_B_TC // _ROWS,),
        in_specs=[pl.BlockSpec((_ROWS, _HW, _C), lambda i: (i, 0, 0))],
        out_specs=pl.BlockSpec((_ROWS, _C), lambda i: (i, 0)),
        out_shape=jax.ShapeDtypeStruct((_B_TC, _C), jnp.float32),
    )(xt)

    xt5 = (xt.reshape(_B, _HW // 8, 8, _LTILES, 128)
             .transpose(0, 1, 3, 2, 4))
    sc_raw = _sc_pool(xt5)
    sc32 = sc_raw.transpose(0, 2, 1, 3).reshape(2 * _B_SC, _C)

    idx, wgt = pl.pallas_call(
        _router_kernel,
        out_shape=[
            jax.ShapeDtypeStruct((_B, 2), jnp.int32),
            jax.ShapeDtypeStruct((_B, 2), jnp.float32),
        ],
    )(pooled_tc, sc32, W1, b1.reshape(1, _HIDDEN), W2, b2.reshape(1, _NE))
    return idx, wgt

# --- scband reference (transcript-rebuilt; emitter-appended) ---
"""Pipeline reference for scband-expert-router-4612794876347 (READ-ONLY COPY).

The authoritative reference and input builder live on the scoring server;
editing this copy changes nothing except your own understanding.
"""

import jax, jax.numpy as jnp
import numpy as np

B, C, H, W = 64, 768, 24, 24
DIM = 768
HIDDEN = DIM // 4
NUM_EXPERTS = 8
TOP_K = 2


def setup_inputs(seed: int = 0) -> dict:
    key = jax.random.key(seed)
    k1, k2, k3 = jax.random.split(key, 3)
    x = jax.random.normal(k1, (B, C, H, W), dtype=jnp.float32)
    W1 = jax.random.normal(k2, (DIM, HIDDEN), dtype=jnp.float32) * (1.0 / np.sqrt(DIM))
    b1 = jnp.zeros((HIDDEN,), dtype=jnp.float32)
    W2 = jax.random.normal(k3, (HIDDEN, NUM_EXPERTS), dtype=jnp.float32) * (1.0 / np.sqrt(HIDDEN))
    b2 = jnp.zeros((NUM_EXPERTS,), dtype=jnp.float32)
    return {"x": x, "W1": W1, "b1": b1, "W2": W2, "b2": b2}


def reference(x, W1, b1, W2, b2):
    # gate: AdaptiveAvgPool2d(1) -> Flatten -> Linear -> GELU -> Dropout(eval=no-op) -> Linear
    pooled = jnp.mean(x, axis=(2, 3))               # [B, C]
    h = pooled @ W1 + b1                            # [B, dim//4]
    h = jax.nn.gelu(h, approximate=False)           # torch nn.GELU default (erf)
    logits = h @ W2 + b2                            # [B, num_experts]
    # eval mode: no gating noise
    top_k_logits, top_k_indices = jax.lax.top_k(logits, TOP_K)
    top_k_weights = jax.nn.softmax(top_k_logits, axis=-1)
    return (top_k_indices, top_k_weights)

if __name__ == "__main__":
    import jax
    _d = setup_inputs()
    print(jax.jit(kernel)(*tuple(_d.values())))

</pallas_src>

<mosaic_0001>
#map = affine_map<(d0, d1) -> (0, 0, 0, 0, 0)>
#map1 = affine_map<(d0, d1) -> (0, 0, 0, 0)>
module attributes {stable_mosaic.version = 14 : i64} {
  func.func @_sc_pool_body(%arg0: i32, %arg1: i32, %arg2: memref<64x72x6x8x128xf32, #tpu.memory_space<hbm>>, %arg3: memref<4x6x8x128xf32, #tpu.memory_space<hbm>>, %arg4: memref<9x6x8x128xf32, #tpu.memory_space<vmem>>, %arg5: memref<9x6x8x128xf32, #tpu.memory_space<vmem>>, %arg6: memref<768xf32, #tpu.memory_space<vmem>>, %arg7: memref<!tpu.dma_semaphore, #tpu.memory_space<semaphore_mem>>, %arg8: memref<!tpu.dma_semaphore, #tpu.memory_space<semaphore_mem>>) attributes {dimension_semantics = [#tpu.dimension_semantics<core_parallel>, #tpu.dimension_semantics<subcore_parallel>], iteration_bounds = array<i64: 2, 16>, scalar_prefetch = 0 : i64, scratch_operands = 5 : i64, tpu.core_type = #tpu.core_type<sc_vector_subcore>, window_params = [{transform_indices = #map}, {transform_indices = #map1}]} {
    %mul3A = arith.constant 2 : i32
    %mul3A_0 = arith.muli %arg1, %mul3A : i32
    %add3A = arith.addi %mul3A_0, %arg0 : i32
    %jit3A = arith.constant 2 : i32
    %div3A = arith.divsi %add3A, %jit3A : i32
    %sign3A = arith.constant 0 : i32
    %sign3A_1 = arith.cmpi sgt, %add3A, %sign3A : i32
    %sign3A_2 = arith.extui %sign3A_1 : i1 to i32
    %sign3A_3 = arith.constant 0 : i32
    %sign3A_4 = arith.cmpi slt, %add3A, %sign3A_3 : i32
    %sign3A_5 = arith.extui %sign3A_4 : i1 to i32
    %sign3A_6 = arith.subi %sign3A_2, %sign3A_5 : i32
    %sign3A_7 = arith.constant 0 : i32
    %sign3A_8 = arith.cmpi sgt, %jit3A, %sign3A_7 : i32
    %sign3A_9 = arith.extui %sign3A_8 : i1 to i32
    %sign3A_10 = arith.constant 0 : i32
    %sign3A_11 = arith.cmpi slt, %jit3A, %sign3A_10 : i32
    %sign3A_12 = arith.extui %sign3A_11 : i1 to i32
    %sign3A_13 = arith.subi %sign3A_9, %sign3A_12 : i32
    %ne3A = arith.cmpi ne, %sign3A_6, %sign3A_13 : i32
    %rem3A = arith.remsi %add3A, %jit3A : i32
    %ne3A_14 = arith.constant 0 : i32
    %ne3A_15 = arith.cmpi ne, %rem3A, %ne3A_14 : i32
    %and3A = arith.andi %ne3A, %ne3A_15 : i1
    %sub3A = arith.constant 1 : i32
    %sub3A_16 = arith.subi %div3A, %sub3A : i32
    %select_n3A = arith.select %and3A, %sub3A_16, %div3A : i32
    %jit3A_17 = arith.constant 2 : i32
    %eq3A = arith.constant 0 : i32
    %eq3A_18 = arith.cmpi eq, %jit3A_17, %eq3A : i32
    %jit3A_19 = arith.constant 1 : i32
    %select_n3A_20 = arith.select %eq3A_18, %jit3A_19, %jit3A_17 : i32
    %rem3A_21 = arith.remsi %add3A, %select_n3A_20 : i32
    %ne3A_22 = arith.constant 0 : i32
    %ne3A_23 = arith.cmpi ne, %rem3A_21, %ne3A_22 : i32
    %lt3A = arith.constant 0 : i32
    %lt3A_24 = arith.cmpi slt, %rem3A_21, %lt3A : i32
    %lt3A_25 = arith.constant 0 : i32
    %lt3A_26 = arith.cmpi slt, %select_n3A_20, %lt3A_25 : i32
    %ne3A_27 = arith.xori %lt3A_24, %lt3A_26 : i1
    %and3A_28 = arith.andi %ne3A_27, %ne3A_23 : i1
    %add3A_29 = arith.addi %rem3A_21, %select_n3A_20 : i32
    %select_n3A_30 = arith.select %and3A_28, %add3A_29, %rem3A_21 : i32
    %add3A_31 = arith.constant 48 : i32
    %add3A_32 = arith.addi %add3A_31, %select_n3A : i32
    %mul3A_33 = arith.constant 36 : i32
    %mul3A_34 = arith.muli %select_n3A_30, %mul3A_33 : i32
    %dma_start3A = arith.constant 0 : i32
    %dma_start3A_35 = arith.constant 0 : i32
    %dma_start3A_36 = arith.constant 0 : i32
    %dma_start3A_37 = tpu.memref_slice %arg2[%add3A_32, %mul3A_34, %dma_start3A, %dma_start3A_35, %dma_start3A_36] : memref<64x72x6x8x128xf32, #tpu.memory_space<hbm>> -> memref<1x9x6x8x128xf32, #tpu.memory_space<hbm>>
    %dma_start3A_38 = tpu.memref_squeeze %dma_start3A_37 : memref<1x9x6x8x128xf32, #tpu.memory_space<hbm>> -> memref<9x6x8x128xf32, #tpu.memory_space<hbm>>
    %dma_start3A_39 = arith.constant 0 : i32
    %dma_start3A_40 = arith.constant 0 : i32
    %dma_start3A_41 = arith.constant 0 : i32
    %dma_start3A_42 = tpu.memref_slice %arg2[%add3A_32, %mul3A_34, %dma_start3A_39, %dma_start3A_40, %dma_start3A_41] : memref<64x72x6x8x128xf32, #tpu.memory_space<hbm>> -> memref<1x9x6x8x128xf32, #tpu.memory_space<hbm>>
    %dma_start3A_43 = tpu.memref_squeeze %dma_start3A_42 : memref<1x9x6x8x128xf32, #tpu.memory_space<hbm>> -> memref<9x6x8x128xf32, #tpu.memory_space<hbm>>
    tpu.enqueue_dma source(%dma_start3A_43 : memref<9x6x8x128xf32, #tpu.memory_space<hbm>>) target(%arg4 : memref<9x6x8x128xf32, #tpu.memory_space<vmem>>) target_semaphore(%arg7 : memref<!tpu.dma_semaphore, #tpu.memory_space<semaphore_mem>>)
    %dma_wait3A = arith.constant 0 : i32
    %dma_wait3A_44 = arith.constant 0 : i32
    %dma_wait3A_45 = arith.constant 0 : i32
    %dma_wait3A_46 = tpu.memref_slice %arg2[%add3A_32, %mul3A_34, %dma_wait3A, %dma_wait3A_44, %dma_wait3A_45] : memref<64x72x6x8x128xf32, #tpu.memory_space<hbm>> -> memref<1x9x6x8x128xf32, #tpu.memory_space<hbm>>
    %dma_wait3A_47 = tpu.memref_squeeze %dma_wait3A_46 : memref<1x9x6x8x128xf32, #tpu.memory_space<hbm>> -> memref<9x6x8x128xf32, #tpu.memory_space<hbm>>
    %dma_wait3A_48 = arith.constant 0 : i32
    %dma_wait3A_49 = arith.constant 0 : i32
    %dma_wait3A_50 = arith.constant 0 : i32
    %dma_wait3A_51 = tpu.memref_slice %arg2[%add3A_32, %mul3A_34, %dma_wait3A_48, %dma_wait3A_49, %dma_wait3A_50] : memref<64x72x6x8x128xf32, #tpu.memory_space<hbm>> -> memref<1x9x6x8x128xf32, #tpu.memory_space<hbm>>
    %dma_wait3A_52 = tpu.memref_squeeze %dma_wait3A_51 : memref<1x9x6x8x128xf32, #tpu.memory_space<hbm>> -> memref<9x6x8x128xf32, #tpu.memory_space<hbm>>
    tpu.wait_dma2 semaphore(%arg7 : memref<!tpu.dma_semaphore, #tpu.memory_space<semaphore_mem>>) src(%dma_wait3A_52 : memref<9x6x8x128xf32, #tpu.memory_space<hbm>>) dst(%arg4 : memref<9x6x8x128xf32, #tpu.memory_space<vmem>>)
    %parallel_loop3A = arith.constant 0 : i32
    %parallel_loop3A_53 = arith.constant 48 : i32
    %parallel_loop3A_54 = arith.constant 1 : i32
    scf.for %parallel_loop3A_103 = %parallel_loop3A to %parallel_loop3A_53 step %parallel_loop3A_54  : i32 {
      %parallel_loop3A_104 = arith.constant 8 : i32
      %parallel_loop3A_105 = arith.divsi %parallel_loop3A_103, %parallel_loop3A_104 : i32
      %parallel_loop3A_106 = arith.constant 0 : i32
      %parallel_loop3A_107 = arith.cmpi sgt, %parallel_loop3A_103, %parallel_loop3A_106 : i32
      %parallel_loop3A_108 = arith.extui %parallel_loop3A_107 : i1 to i32
      %parallel_loop3A_109 = arith.constant 0 : i32
      %parallel_loop3A_110 = arith.cmpi slt, %parallel_loop3A_103, %parallel_loop3A_109 : i32
      %parallel_loop3A_111 = arith.extui %parallel_loop3A_110 : i1 to i32
      %parallel_loop3A_112 = arith.subi %parallel_loop3A_108, %parallel_loop3A_111 : i32
      %parallel_loop3A_113 = arith.constant 0 : i32
      %parallel_loop3A_114 = arith.cmpi sgt, %parallel_loop3A_104, %parallel_loop3A_113 : i32
      %parallel_loop3A_115 = arith.extui %parallel_loop3A_114 : i1 to i32
      %parallel_loop3A_116 = arith.constant 0 : i32
      %parallel_loop3A_117 = arith.cmpi slt, %parallel_loop3A_104, %parallel_loop3A_116 : i32
      %parallel_loop3A_118 = arith.extui %parallel_loop3A_117 : i1 to i32
      %parallel_loop3A_119 = arith.subi %parallel_loop3A_115, %parallel_loop3A_118 : i32
      %parallel_loop3A_120 = arith.cmpi ne, %parallel_loop3A_112, %parallel_loop3A_119 : i32
      %parallel_loop3A_121 = arith.remsi %parallel_loop3A_103, %parallel_loop3A_104 : i32
      %parallel_loop3A_122 = arith.constant 0 : i32
      %parallel_loop3A_123 = arith.cmpi ne, %parallel_loop3A_121, %parallel_loop3A_122 : i32
      %parallel_loop3A_124 = arith.andi %parallel_loop3A_120, %parallel_loop3A_123 : i1
      %parallel_loop3A_125 = arith.constant 1 : i32
      %parallel_loop3A_126 = arith.subi %parallel_loop3A_105, %parallel_loop3A_125 : i32
      %parallel_loop3A_127 = arith.select %parallel_loop3A_124, %parallel_loop3A_126, %parallel_loop3A_105 : i32
      %parallel_loop3A_128 = arith.constant 8 : i32
      %parallel_loop3A_129 = arith.constant 0 : i32
      %parallel_loop3A_130 = arith.cmpi eq, %parallel_loop3A_128, %parallel_loop3A_129 : i32
      %parallel_loop3A_131 = arith.constant 1 : i32
      %parallel_loop3A_132 = arith.select %parallel_loop3A_130, %parallel_loop3A_131, %parallel_loop3A_128 : i32
      %parallel_loop3A_133 = arith.remsi %parallel_loop3A_103, %parallel_loop3A_132 : i32
      %parallel_loop3A_134 = arith.constant 0 : i32
      %parallel_loop3A_135 = arith.cmpi ne, %parallel_loop3A_133, %parallel_loop3A_134 : i32
      %parallel_loop3A_136 = arith.constant 0 : i32
      %parallel_loop3A_137 = arith.cmpi slt, %parallel_loop3A_133, %parallel_loop3A_136 : i32
      %parallel_loop3A_138 = arith.constant 0 : i32
      %parallel_loop3A_139 = arith.cmpi slt, %parallel_loop3A_132, %parallel_loop3A_138 : i32
      %parallel_loop3A_140 = arith.xori %parallel_loop3A_137, %parallel_loop3A_139 : i1
      %parallel_loop3A_141 = arith.andi %parallel_loop3A_140, %parallel_loop3A_135 : i1
      %parallel_loop3A_142 = arith.addi %parallel_loop3A_133, %parallel_loop3A_132 : i32
      %parallel_loop3A_143 = arith.select %parallel_loop3A_141, %parallel_loop3A_142, %parallel_loop3A_133 : i32
      %parallel_loop3A_144 = arith.constant 16 : i32
      %parallel_loop3A_145 = arith.muli %parallel_loop3A_143, %parallel_loop3A_144 : i32
      %parallel_loop3A_146 = tpu.assume_multiple %parallel_loop3A_145, 16 : i32
      %parallel_loop3A_147 = arith.constant 0 : i32
      %parallel_loop3A_148 = arith.constant 0 : i32
      %parallel_loop3A_149 = arith.index_cast %parallel_loop3A_147 : i32 to index
      %parallel_loop3A_150 = arith.index_cast %parallel_loop3A_127 : i32 to index
      %parallel_loop3A_151 = arith.index_cast %parallel_loop3A_148 : i32 to index
      %parallel_loop3A_152 = arith.index_cast %parallel_loop3A_146 : i32 to index
      %parallel_loop3A_153 = tpu.vector_load %arg4[%parallel_loop3A_149, %parallel_loop3A_150, %parallel_loop3A_151, %parallel_loop3A_152] {strides = array<i32>} : memref<9x6x8x128xf32, #tpu.memory_space<vmem>>, vector<1x1x1x16xf32>,
      %parallel_loop3A_154 = vector.shape_cast %parallel_loop3A_153 : vector<1x1x1x16xf32> to vector<16xf32>
      %parallel_loop3A_155 = arith.constant 0 : i32
      %parallel_loop3A_156 = arith.constant 1 : i32
      %parallel_loop3A_157 = arith.index_cast %parallel_loop3A_155 : i32 to index
      %parallel_loop3A_158 = arith.index_cast %parallel_loop3A_127 : i32 to index
      %parallel_loop3A_159 = arith.index_cast %parallel_loop3A_156 : i32 to index
      %parallel_loop3A_160 = arith.index_cast %parallel_loop3A_146 : i32 to index
      %parallel_loop3A_161 = tpu.vector_load %arg4[%parallel_loop3A_157, %parallel_loop3A_158, %parallel_loop3A_159, %parallel_loop3A_160] {strides = array<i32>} : memref<9x6x8x128xf32, #tpu.memory_space<vmem>>, vector<1x1x1x16xf32>,
      %parallel_loop3A_162 = vector.shape_cast %parallel_loop3A_161 : vector<1x1x1x16xf32> to vector<16xf32>
      %parallel_loop3A_163 = arith.constant 0 : i32
      %parallel_loop3A_164 = arith.constant 2 : i32
      %parallel_loop3A_165 = arith.index_cast %parallel_loop3A_163 : i32 to index
      %parallel_loop3A_166 = arith.index_cast %parallel_loop3A_127 : i32 to index
      %parallel_loop3A_167 = arith.index_cast %parallel_loop3A_164 : i32 to index
      %parallel_loop3A_168 = arith.index_cast %parallel_loop3A_146 : i32 to index
      %parallel_loop3A_169 = tpu.vector_load %arg4[%parallel_loop3A_165, %parallel_loop3A_166, %parallel_loop3A_167, %parallel_loop3A_168] {strides = array<i32>} : memref<9x6x8x128xf32, #tpu.memory_space<vmem>>, vector<1x1x1x16xf32>,
      %parallel_loop3A_170 = vector.shape_cast %parallel_loop3A_169 : vector<1x1x1x16xf32> to vector<16xf32>
      %parallel_loop3A_171 = arith.constant 0 : i32
      %parallel_loop3A_172 = arith.constant 3 : i32
      %parallel_loop3A_173 = arith.index_cast %parallel_loop3A_171 : i32 to index
      %parallel_loop3A_174 = arith.index_cast %parallel_loop3A_127 : i32 to index
      %parallel_loop3A_175 = arith.index_cast %parallel_loop3A_172 : i32 to index
      %parallel_loop3A_176 = arith.index_cast %parallel_loop3A_146 : i32 to index
      %parallel_loop3A_177 = tpu.vector_load %arg4[%parallel_loop3A_173, %parallel_loop3A_174, %parallel_loop3A_175, %parallel_loop3A_176] {strides = array<i32>} : memref<9x6x8x128xf32, #tpu.memory_space<vmem>>, vector<1x1x1x16xf32>,
      %parallel_loop3A_178 = vector.shape_cast %parallel_loop3A_177 : vector<1x1x1x16xf32> to vector<16xf32>
      %parallel_loop3A_179 = arith.constant 0 : i32
      %parallel_loop3A_180 = arith.constant 4 : i32
      %parallel_loop3A_181 = arith.index_cast %parallel_loop3A_179 : i32 to index
      %parallel_loop3A_182 = arith.index_cast %parallel_loop3A_127 : i32 to index
      %parallel_loop3A_183 = arith.index_cast %parallel_loop3A_180 : i32 to index
      %parallel_loop3A_184 = arith.index_cast %parallel_loop3A_146 : i32 to index
      %parallel_loop3A_185 = tpu.vector_load %arg4[%parallel_loop3A_181, %parallel_loop3A_182, %parallel_loop3A_183, %parallel_loop3A_184] {strides = array<i32>} : memref<9x6x8x128xf32, #tpu.memory_space<vmem>>, vector<1x1x1x16xf32>,
      %parallel_loop3A_186 = vector.shape_cast %parallel_loop3A_185 : vector<1x1x1x16xf32> to vector<16xf32>
      %parallel_loop3A_187 = arith.constant 0 : i32
      %parallel_loop3A_188 = arith.constant 5 : i32
      %parallel_loop3A_189 = arith.index_cast %parallel_loop3A_187 : i32 to index
      %parallel_loop3A_190 = arith.index_cast %parallel_loop3A_127 : i32 to index
      %parallel_loop3A_191 = arith.index_cast %parallel_loop3A_188 : i32 to index
      %parallel_loop3A_192 = arith.index_cast %parallel_loop3A_146 : i32 to index
      %parallel_loop3A_193 = tpu.vector_load %arg4[%parallel_loop3A_189, %parallel_loop3A_190, %parallel_loop3A_191, %parallel_loop3A_192] {strides = array<i32>} : memref<9x6x8x128xf32, #tpu.memory_space<vmem>>, vector<1x1x1x16xf32>,
      %parallel_loop3A_194 = vector.shape_cast %parallel_loop3A_193 : vector<1x1x1x16xf32> to vector<16xf32>
      %parallel_loop3A_195 = arith.constant 0 : i32
      %parallel_loop3A_196 = arith.constant 6 : i32
      %parallel_loop3A_197 = arith.index_cast %parallel_loop3A_195 : i32 to index
      %parallel_loop3A_198 = arith.index_cast %parallel_loop3A_127 : i32 to index
      %parallel_loop3A_199 = arith.index_cast %parallel_loop3A_196 : i32 to index
      %parallel_loop3A_200 = arith.index_cast %parallel_loop3A_146 : i32 to index
      %parallel_loop3A_201 = tpu.vector_load %arg4[%parallel_loop3A_197, %parallel_loop3A_198, %parallel_loop3A_199, %parallel_loop3A_200] {strides = array<i32>} : memref<9x6x8x128xf32, #tpu.memory_space<vmem>>, vector<1x1x1x16xf32>,
      %parallel_loop3A_202 = vector.shape_cast %parallel_loop3A_201 : vector<1x1x1x16xf32> to vector<16xf32>
      %parallel_loop3A_203 = arith.constant 0 : i32
      %parallel_loop3A_204 = arith.constant 7 : i32
      %parallel_loop3A_205 = arith.index_cast %parallel_loop3A_203 : i32 to index
      %parallel_loop3A_206 = arith.index_cast %parallel_loop3A_127 : i32 to index
      %parallel_loop3A_207 = arith.index_cast %parallel_loop3A_204 : i32 to index
      %parallel_loop3A_208 = arith.index_cast %parallel_loop3A_146 : i32 to index
      %parallel_loop3A_209 = tpu.vector_load %arg4[%parallel_loop3A_205, %parallel_loop3A_206, %parallel_loop3A_207, %parallel_loop3A_208] {strides = array<i32>} : memref<9x6x8x128xf32, #tpu.memory_space<vmem>>, vector<1x1x1x16xf32>,
      %parallel_loop3A_210 = vector.shape_cast %parallel_loop3A_209 : vector<1x1x1x16xf32> to vector<16xf32>
      %parallel_loop3A_211 = arith.constant 1 : i32
      %parallel_loop3A_212 = arith.constant 0 : i32
      %parallel_loop3A_213 = arith.index_cast %parallel_loop3A_211 : i32 to index
      %parallel_loop3A_214 = arith.index_cast %parallel_loop3A_127 : i32 to index
      %parallel_loop3A_215 = arith.index_cast %parallel_loop3A_212 : i32 to index
      %parallel_loop3A_216 = arith.index_cast %parallel_loop3A_146 : i32 to index
      %parallel_loop3A_217 = tpu.vector_load %arg4[%parallel_loop3A_213, %parallel_loop3A_214, %parallel_loop3A_215, %parallel_loop3A_216] {strides = array<i32>} : memref<9x6x8x128xf32, #tpu.memory_space<vmem>>, vector<1x1x1x16xf32>,
      %parallel_loop3A_218 = vector.shape_cast %parallel_loop3A_217 : vector<1x1x1x16xf32> to vector<16xf32>
      %parallel_loop3A_219 = arith.constant 1 : i32
      %parallel_loop3A_220 = arith.constant 1 : i32
      %parallel_loop3A_221 = arith.index_cast %parallel_loop3A_219 : i32 to index
      %parallel_loop3A_222 = arith.index_cast %parallel_loop3A_127 : i32 to index
      %parallel_loop3A_223 = arith.index_cast %parallel_loop3A_220 : i32 to index
      %parallel_loop3A_224 = arith.index_cast %parallel_loop3A_146 : i32 to index
      %parallel_loop3A_225 = tpu.vector_load %arg4[%parallel_loop3A_221, %parallel_loop3A_222, %parallel_loop3A_223, %parallel_loop3A_224] {strides = array<i32>} : memref<9x6x8x128xf32, #tpu.memory_space<vmem>>, vector<1x1x1x16xf32>,
      %parallel_loop3A_226 = vector.shape_cast %parallel_loop3A_225 : vector<1x1x1x16xf32> to vector<16xf32>
      %parallel_loop3A_227 = arith.constant 1 : i32
      %parallel_loop3A_228 = arith.constant 2 : i32
      %parallel_loop3A_229 = arith.index_cast %parallel_loop3A_227 : i32 to index
      %parallel_loop3A_230 = arith.index_cast %parallel_loop3A_127 : i32 to index
      %parallel_loop3A_231 = arith.index_cast %parallel_loop3A_228 : i32 to index
      %parallel_loop3A_232 = arith.index_cast %parallel_loop3A_146 : i32 to index
      %parallel_loop3A_233 = tpu.vector_load %arg4[%parallel_loop3A_229, %parallel_loop3A_230, %parallel_loop3A_231, %parallel_loop3A_232] {strides = array<i32>} : memref<9x6x8x128xf32, #tpu.memory_space<vmem>>, vector<1x1x1x16xf32>,
      %parallel_loop3A_234 = vector.shape_cast %parallel_loop3A_233 : vector<1x1x1x16xf32> to vector<16xf32>
      %parallel_loop3A_235 = arith.constant 1 : i32
      %parallel_loop3A_236 = arith.constant 3 : i32
      %parallel_loop3A_237 = arith.index_cast %parallel_loop3A_235 : i32 to index
      %parallel_loop3A_238 = arith.index_cast %parallel_loop3A_127 : i32 to index
      %parallel_loop3A_239 = arith.index_cast %parallel_loop3A_236 : i32 to index
      %parallel_loop3A_240 = arith.index_cast %parallel_loop3A_146 : i32 to index
      %parallel_loop3A_241 = tpu.vector_load %arg4[%parallel_loop3A_237, %parallel_loop3A_238, %parallel_loop3A_239, %parallel_loop3A_240] {strides = array<i32>} : memref<9x6x8x128xf32, #tpu.memory_space<vmem>>, vector<1x1x1x16xf32>,
      %parallel_loop3A_242 = vector.shape_cast %parallel_loop3A_241 : vector<1x1x1x16xf32> to vector<16xf32>
      %parallel_loop3A_243 = arith.constant 1 : i32
      %parallel_loop3A_244 = arith.constant 4 : i32
      %parallel_loop3A_245 = arith.index_cast %parallel_loop3A_243 : i32 to index
      %parallel_loop3A_246 = arith.index_cast %parallel_loop3A_127 : i32 to index
      %parallel_loop3A_247 = arith.index_cast %parallel_loop3A_244 : i32 to index
      %parallel_loop3A_248 = arith.index_cast %parallel_loop3A_146 : i32 to index
      %parallel_loop3A_249 = tpu.vector_load %arg4[%parallel_loop3A_245, %parallel_loop3A_246, %parallel_loop3A_247, %parallel_loop3A_248] {strides = array<i32>} : memref<9x6x8x128xf32, #tpu.memory_space<vmem>>, vector<1x1x1x16xf32>,
      %parallel_loop3A_250 = vector.shape_cast %parallel_loop3A_249 : vector<1x1x1x16xf32> to vector<16xf32>
      %parallel_loop3A_251 = arith.constant 1 : i32
      %parallel_loop3A_252 = arith.constant 5 : i32
      %parallel_loop3A_253 = arith.index_cast %parallel_loop3A_251 : i32 to index
      %parallel_loop3A_254 = arith.index_cast %parallel_loop3A_127 : i32 to index
      %parallel_loop3A_255 = arith.index_cast %parallel_loop3A_252 : i32 to index
      %parallel_loop3A_256 = arith.index_cast %parallel_loop3A_146 : i32 to index
      %parallel_loop3A_257 = tpu.vector_load %arg4[%parallel_loop3A_253, %parallel_loop3A_254, %parallel_loop3A_255, %parallel_loop3A_256] {strides = array<i32>} : memref<9x6x8x128xf32, #tpu.memory_space<vmem>>, vector<1x1x1x16xf32>,
      %parallel_loop3A_258 = vector.shape_cast %parallel_loop3A_257 : vector<1x1x1x16xf32> to vector<16xf32>
      %parallel_loop3A_259 = arith.constant 1 : i32
      %parallel_loop3A_260 = arith.constant 6 : i32
      %parallel_loop3A_261 = arith.index_cast %parallel_loop3A_259 : i32 to index
      %parallel_loop3A_262 = arith.index_cast %parallel_loop3A_127 : i32 to index
      %parallel_loop3A_263 = arith.index_cast %parallel_loop3A_260 : i32 to index
      %parallel_loop3A_264 = arith.index_cast %parallel_loop3A_146 : i32 to index
      %parallel_loop3A_265 = tpu.vector_load %arg4[%parallel_loop3A_261, %parallel_loop3A_262, %parallel_loop3A_263, %parallel_loop3A_264] {strides = array<i32>} : memref<9x6x8x128xf32, #tpu.memory_space<vmem>>, vector<1x1x1x16xf32>,
      %parallel_loop3A_266 = vector.shape_cast %parallel_loop3A_265 : vector<1x1x1x16xf32> to vector<16xf32>
      %parallel_loop3A_267 = arith.constant 1 : i32
      %parallel_loop3A_268 = arith.constant 7 : i32
      %parallel_loop3A_269 = arith.index_cast %parallel_loop3A_267 : i32 to index
      %parallel_loop3A_270 = arith.index_cast %parallel_loop3A_127 : i32 to index
      %parallel_loop3A_271 = arith.index_cast %parallel_loop3A_268 : i32 to index
      %parallel_loop3A_272 = arith.index_cast %parallel_loop3A_146 : i32 to index
      %parallel_loop3A_273 = tpu.vector_load %arg4[%parallel_loop3A_269, %parallel_loop3A_270, %parallel_loop3A_271, %parallel_loop3A_272] {strides = array<i32>} : memref<9x6x8x128xf32, #tpu.memory_space<vmem>>, vector<1x1x1x16xf32>,
      %parallel_loop3A_274 = vector.shape_cast %parallel_loop3A_273 : vector<1x1x1x16xf32> to vector<16xf32>
      %parallel_loop3A_275 = arith.constant 2 : i32
      %parallel_loop3A_276 = arith.constant 0 : i32
      %parallel_loop3A_277 = arith.index_cast %parallel_loop3A_275 : i32 to index
      %parallel_loop3A_278 = arith.index_cast %parallel_loop3A_127 : i32 to index
      %parallel_loop3A_279 = arith.index_cast %parallel_loop3A_276 : i32 to index
      %parallel_loop3A_280 = arith.index_cast %parallel_loop3A_146 : i32 to index
      %parallel_loop3A_281 = tpu.vector_load %arg4[%parallel_loop3A_277, %parallel_loop3A_278, %parallel_loop3A_279, %parallel_loop3A_280] {strides = array<i32>} : memref<9x6x8x128xf32, #tpu.memory_space<vmem>>, vector<1x1x1x16xf32>,
      %parallel_loop3A_282 = vector.shape_cast %parallel_loop3A_281 : vector<1x1x1x16xf32> to vector<16xf32>
      %parallel_loop3A_283 = arith.constant 2 : i32
      %parallel_loop3A_284 = arith.constant 1 : i32
      %parallel_loop3A_285 = arith.index_cast %parallel_loop3A_283 : i32 to index
      %parallel_loop3A_286 = arith.index_cast %parallel_loop3A_127 : i32 to index
      %parallel_loop3A_287 = arith.index_cast %parallel_loop3A_284 : i32 to index
      %parallel_loop3A_288 = arith.index_cast %parallel_loop3A_146 : i32 to index
      %parallel_loop3A_289 = tpu.vector_load %arg4[%parallel_loop3A_285, %parallel_loop3A_286, %parallel_loop3A_287, %parallel_loop3A_288] {strides = array<i32>} : memref<9x6x8x128xf32, #tpu.memory_space<vmem>>, vector<1x1x1x16xf32>,
      %parallel_loop3A_290 = vector.shape_cast %parallel_loop3A_289 : vector<1x1x1x16xf32> to vector<16xf32>
      %parallel_loop3A_291 = arith.constant 2 : i32
      %parallel_loop3A_292 = arith.constant 2 : i32
      %parallel_loop3A_293 = arith.index_cast %parallel_loop3A_291 : i32 to index
      %parallel_loop3A_294 = arith.index_cast %parallel_loop3A_127 : i32 to index
      %parallel_loop3A_295 = arith.index_cast %parallel_loop3A_292 : i32 to index
      %parallel_loop3A_296 = arith.index_cast %parallel_loop3A_146 : i32 to index
      %parallel_loop3A_297 = tpu.vector_load %arg4[%parallel_loop3A_293, %parallel_loop3A_294, %parallel_loop3A_295, %parallel_loop3A_296] {strides = array<i32>} : memref<9x6x8x128xf32, #tpu.memory_space<vmem>>, vector<1x1x1x16xf32>,
      %parallel_loop3A_298 = vector.shape_cast %parallel_loop3A_297 : vector<1x1x1x16xf32> to vector<16xf32>
      %parallel_loop3A_299 = arith.constant 2 : i32
      %parallel_loop3A_300 = arith.constant 3 : i32
      %parallel_loop3A_301 = arith.index_cast %parallel_loop3A_299 : i32 to index
      %parallel_loop3A_302 = arith.index_cast %parallel_loop3A_127 : i32 to index
      %parallel_loop3A_303 = arith.index_cast %parallel_loop3A_300 : i32 to index
      %parallel_loop3A_304 = arith.index_cast %parallel_loop3A_146 : i32 to index
      %parallel_loop3A_305 = tpu.vector_load %arg4[%parallel_loop3A_301, %parallel_loop3A_302, %parallel_loop3A_303, %parallel_loop3A_304] {strides = array<i32>} : memref<9x6x8x128xf32, #tpu.memory_space<vmem>>, vector<1x1x1x16xf32>,
      %parallel_loop3A_306 = vector.shape_cast %parallel_loop3A_305 : vector<1x1x1x16xf32> to vector<16xf32>
      %parallel_loop3A_307 = arith.constant 2 : i32
      %parallel_loop3A_308 = arith.constant 4 : i32
      %parallel_loop3A_309 = arith.index_cast %parallel_loop3A_307 : i32 to index
      %parallel_loop3A_310 = arith.index_cast %parallel_loop3A_127 : i32 to index
      %parallel_loop3A_311 = arith.index_cast %parallel_loop3A_308 : i32 to index
      %parallel_loop3A_312 = arith.index_cast %parallel_loop3A_146 : i32 to index
      %parallel_loop3A_313 = tpu.vector_load %arg4[%parallel_loop3A_309, %parallel_loop3A_310, %parallel_loop3A_311, %parallel_loop3A_312] {strides = array<i32>} : memref<9x6x8x128xf32, #tpu.memory_space<vmem>>, vector<1x1x1x16xf32>,
      %parallel_loop3A_314 = vector.shape_cast %parallel_loop3A_313 : vector<1x1x1x16xf32> to vector<16xf32>
      %parallel_loop3A_315 = arith.constant 2 : i32
      %parallel_loop3A_316 = arith.constant 5 : i32
      %parallel_loop3A_317 = arith.index_cast %parallel_loop3A_315 : i32 to index
      %parallel_loop3A_318 = arith.index_cast %parallel_loop3A_127 : i32 to index
      %parallel_loop3A_319 = arith.index_cast %parallel_loop3A_316 : i32 to index
      %parallel_loop3A_320 = arith.index_cast %parallel_loop3A_146 : i32 to index
      %parallel_loop3A_321 = tpu.vector_load %arg4[%parallel_loop3A_317, %parallel_loop3A_318, %parallel_loop3A_319, %parallel_loop3A_320] {strides = array<i32>} : memref<9x6x8x128xf32, #tpu.memory_space<vmem>>, vector<1x1x1x16xf32>,
      %parallel_loop3A_322 = vector.shape_cast %parallel_loop3A_321 : vector<1x1x1x16xf32> to vector<16xf32>
      %parallel_loop3A_323 = arith.constant 2 : i32
      %parallel_loop3A_324 = arith.constant 6 : i32
      %parallel_loop3A_325 = arith.index_cast %parallel_loop3A_323 : i32 to index
      %parallel_loop3A_326 = arith.index_cast %parallel_loop3A_127 : i32 to index
      %parallel_loop3A_327 = arith.index_cast %parallel_loop3A_324 : i32 to index
      %parallel_loop3A_328 = arith.index_cast %parallel_loop3A_146 : i32 to index
      %parallel_loop3A_329 = tpu.vector_load %arg4[%parallel_loop3A_325, %parallel_loop3A_326, %parallel_loop3A_327, %parallel_loop3A_328] {strides = array<i32>} : memref<9x6x8x128xf32, #tpu.memory_space<vmem>>, vector<1x1x1x16xf32>,
      %parallel_loop3A_330 = vector.shape_cast %parallel_loop3A_329 : vector<1x1x1x16xf32> to vector<16xf32>
      %parallel_loop3A_331 = arith.constant 2 : i32
      %parallel_loop3A_332 = arith.constant 7 : i32
      %parallel_loop3A_333 = arith.index_cast %parallel_loop3A_331 : i32 to index
      %parallel_loop3A_334 = arith.index_cast %parallel_loop3A_127 : i32 to index
      %parallel_loop3A_335 = arith.index_cast %parallel_loop3A_332 : i32 to index
      %parallel_loop3A_336 = arith.index_cast %parallel_loop3A_146 : i32 to index
      %parallel_loop3A_337 = tpu.vector_load %arg4[%parallel_loop3A_333, %parallel_loop3A_334, %parallel_loop3A_335, %parallel_loop3A_336] {strides = array<i32>} : memref<9x6x8x128xf32, #tpu.memory_space<vmem>>, vector<1x1x1x16xf32>,
      %parallel_loop3A_338 = vector.shape_cast %parallel_loop3A_337 : vector<1x1x1x16xf32> to vector<16xf32>
      %parallel_loop3A_339 = arith.constant 3 : i32
      %parallel_loop3A_340 = arith.constant 0 : i32
      %parallel_loop3A_341 = arith.index_cast %parallel_loop3A_339 : i32 to index
      %parallel_loop3A_342 = arith.index_cast %parallel_loop3A_127 : i32 to index
      %parallel_loop3A_343 = arith.index_cast %parallel_loop3A_340 : i32 to index
      %parallel_loop3A_344 = arith.index_cast %parallel_loop3A_146 : i32 to index
      %parallel_loop3A_345 = tpu.vector_load %arg4[%parallel_loop3A_341, %parallel_loop3A_342, %parallel_loop3A_343, %parallel_loop3A_344] {strides = array<i32>} : memref<9x6x8x128xf32, #tpu.memory_space<vmem>>, vector<1x1x1x16xf32>,
      %parallel_loop3A_346 = vector.shape_cast %parallel_loop3A_345 : vector<1x1x1x16xf32> to vector<16xf32>
      %parallel_loop3A_347 = arith.constant 3 : i32
      %parallel_loop3A_348 = arith.constant 1 : i32
      %parallel_loop3A_349 = arith.index_cast %parallel_loop3A_347 : i32 to index
      %parallel_loop3A_350 = arith.index_cast %parallel_loop3A_127 : i32 to index
      %parallel_loop3A_351 = arith.index_cast %parallel_loop3A_348 : i32 to index
      %parallel_loop3A_352 = arith.index_cast %parallel_loop3A_146 : i32 to index
      %parallel_loop3A_353 = tpu.vector_load %arg4[%parallel_loop3A_349, %parallel_loop3A_350, %parallel_loop3A_351, %parallel_loop3A_352] {strides = array<i32>} : memref<9x6x8x128xf32, #tpu.memory_space<vmem>>, vector<1x1x1x16xf32>,
      %parallel_loop3A_354 = vector.shape_cast %parallel_loop3A_353 : vector<1x1x1x16xf32> to vector<16xf32>
      %parallel_loop3A_355 = arith.constant 3 : i32
      %parallel_loop3A_356 = arith.constant 2 : i32
      %parallel_loop3A_357 = arith.index_cast %parallel_loop3A_355 : i32 to index
      %parallel_loop3A_358 = arith.index_cast %parallel_loop3A_127 : i32 to index
      %parallel_loop3A_359 = arith.index_cast %parallel_loop3A_356 : i32 to index
      %parallel_loop3A_360 = arith.index_cast %parallel_loop3A_146 : i32 to index
      %parallel_loop3A_361 = tpu.vector_load %arg4[%parallel_loop3A_357, %parallel_loop3A_358, %parallel_loop3A_359, %parallel_loop3A_360] {strides = array<i32>} : memref<9x6x8x128xf32, #tpu.memory_space<vmem>>, vector<1x1x1x16xf32>,
      %parallel_loop3A_362 = vector.shape_cast %parallel_loop3A_361 : vector<1x1x1x16xf32> to vector<16xf32>
      %parallel_loop3A_363 = arith.constant 3 : i32
      %parallel_loop3A_364 = arith.constant 3 : i32
      %parallel_loop3A_365 = arith.index_cast %parallel_loop3A_363 : i32 to index
      %parallel_loop3A_366 = arith.index_cast %parallel_loop3A_127 : i32 to index
      %parallel_loop3A_367 = arith.index_cast %parallel_loop3A_364 : i32 to index
      %parallel_loop3A_368 = arith.index_cast %parallel_loop3A_146 : i32 to index
      %parallel_loop3A_369 = tpu.vector_load %arg4[%parallel_loop3A_365, %parallel_loop3A_366, %parallel_loop3A_367, %parallel_loop3A_368] {strides = array<i32>} : memref<9x6x8x128xf32, #tpu.memory_space<vmem>>, vector<1x1x1x16xf32>,
      %parallel_loop3A_370 = vector.shape_cast %parallel_loop3A_369 : vector<1x1x1x16xf32> to vector<16xf32>
      %parallel_loop3A_371 = arith.constant 3 : i32
      %parallel_loop3A_372 = arith.constant 4 : i32
      %parallel_loop3A_373 = arith.index_cast %parallel_loop3A_371 : i32 to index
      %parallel_loop3A_374 = arith.index_cast %parallel_loop3A_127 : i32 to index
      %parallel_loop3A_375 = arith.index_cast %parallel_loop3A_372 : i32 to index
      %parallel_loop3A_376 = arith.index_cast %parallel_loop3A_146 : i32 to index
      %parallel_loop3A_377 = tpu.vector_load %arg4[%parallel_loop3A_373, %parallel_loop3A_374, %parallel_loop3A_375, %parallel_loop3A_376] {strides = array<i32>} : memref<9x6x8x128xf32, #tpu.memory_space<vmem>>, vector<1x1x1x16xf32>,
      %parallel_loop3A_378 = vector.shape_cast %parallel_loop3A_377 : vector<1x1x1x16xf32> to vector<16xf32>
      %parallel_loop3A_379 = arith.constant 3 : i32
      %parallel_loop3A_380 = arith.constant 5 : i32
      %parallel_loop3A_381 = arith.index_cast %parallel_loop3A_379 : i32 to index
      %parallel_loop3A_382 = arith.index_cast %parallel_loop3A_127 : i32 to index
      %parallel_loop3A_383 = arith.index_cast %parallel_loop3A_380 : i32 to index
      %parallel_loop3A_384 = arith.index_cast %parallel_loop3A_146 : i32 to index
      %parallel_loop3A_385 = tpu.vector_load %arg4[%parallel_loop3A_381, %parallel_loop3A_382, %parallel_loop3A_383, %parallel_loop3A_384] {strides = array<i32>} : memref<9x6x8x128xf32, #tpu.memory_space<vmem>>, vector<1x1x1x16xf32>,
      %parallel_loop3A_386 = vector.shape_cast %parallel_loop3A_385 : vector<1x1x1x16xf32> to vector<16xf32>
      %parallel_loop3A_387 = arith.constant 3 : i32
      %parallel_loop3A_388 = arith.constant 6 : i32
      %parallel_loop3A_389 = arith.index_cast %parallel_loop3A_387 : i32 to index
      %parallel_loop3A_390 = arith.index_cast %parallel_loop3A_127 : i32 to index
      %parallel_loop3A_391 = arith.index_cast %parallel_loop3A_388 : i32 to index
      %parallel_loop3A_392 = arith.index_cast %parallel_loop3A_146 : i32 to index
      %parallel_loop3A_393 = tpu.vector_load %arg4[%parallel_loop3A_389, %parallel_loop3A_390, %parallel_loop3A_391, %parallel_loop3A_392] {strides = array<i32>} : memref<9x6x8x128xf32, #tpu.memory_space<vmem>>, vector<1x1x1x16xf32>,
      %parallel_loop3A_394 = vector.shape_cast %parallel_loop3A_393 : vector<1x1x1x16xf32> to vector<16xf32>
      %parallel_loop3A_395 = arith.constant 3 : i32
      %parallel_loop3A_396 = arith.constant 7 : i32
      %parallel_loop3A_397 = arith.index_cast %parallel_loop3A_395 : i32 to index
      %parallel_loop3A_398 = arith.index_cast %parallel_loop3A_127 : i32 to index
      %parallel_loop3A_399 = arith.index_cast %parallel_loop3A_396 : i32 to index
      %parallel_loop3A_400 = arith.index_cast %parallel_loop3A_146 : i32 to index
      %parallel_loop3A_401 = tpu.vector_load %arg4[%parallel_loop3A_397, %parallel_loop3A_398, %parallel_loop3A_399, %parallel_loop3A_400] {strides = array<i32>} : memref<9x6x8x128xf32, #tpu.memory_space<vmem>>, vector<1x1x1x16xf32>,
      %parallel_loop3A_402 = vector.shape_cast %parallel_loop3A_401 : vector<1x1x1x16xf32> to vector<16xf32>
      %parallel_loop3A_403 = arith.constant 4 : i32
      %parallel_loop3A_404 = arith.constant 0 : i32
      %parallel_loop3A_405 = arith.index_cast %parallel_loop3A_403 : i32 to index
      %parallel_loop3A_406 = arith.index_cast %parallel_loop3A_127 : i32 to index
      %parallel_loop3A_407 = arith.index_cast %parallel_loop3A_404 : i32 to index
      %parallel_loop3A_408 = arith.index_cast %parallel_loop3A_146 : i32 to index
      %parallel_loop3A_409 = tpu.vector_load %arg4[%parallel_loop3A_405, %parallel_loop3A_406, %parallel_loop3A_407, %parallel_loop3A_408] {strides = array<i32>} : memref<9x6x8x128xf32, #tpu.memory_space<vmem>>, vector<1x1x1x16xf32>,
      %parallel_loop3A_410 = vector.shape_cast %parallel_loop3A_409 : vector<1x1x1x16xf32> to vector<16xf32>
      %parallel_loop3A_411 = arith.constant 4 : i32
      %parallel_loop3A_412 = arith.constant 1 : i32
      %parallel_loop3A_413 = arith.index_cast %parallel_loop3A_411 : i32 to index
      %parallel_loop3A_414 = arith.index_cast %parallel_loop3A_127 : i32 to index
      %parallel_loop3A_415 = arith.index_cast %parallel_loop3A_412 : i32 to index
      %parallel_loop3A_416 = arith.index_cast %parallel_loop3A_146 : i32 to index
      %parallel_loop3A_417 = tpu.vector_load %arg4[%parallel_loop3A_413, %parallel_loop3A_414, %parallel_loop3A_415, %parallel_loop3A_416] {strides = array<i32>} : memref<9x6x8x128xf32, #tpu.memory_space<vmem>>, vector<1x1x1x16xf32>,
      %parallel_loop3A_418 = vector.shape_cast %parallel_loop3A_417 : vector<1x1x1x16xf32> to vector<16xf32>
      %parallel_loop3A_419 = arith.constant 4 : i32
      %parallel_loop3A_420 = arith.constant 2 : i32
      %parallel_loop3A_421 = arith.index_cast %parallel_loop3A_419 : i32 to index
      %parallel_loop3A_422 = arith.index_cast %parallel_loop3A_127 : i32 to index
      %parallel_loop3A_423 = arith.index_cast %parallel_loop3A_420 : i32 to index
      %parallel_loop3A_424 = arith.index_cast %parallel_loop3A_146 : i32 to index
      %parallel_loop3A_425 = tpu.vector_load %arg4[%parallel_loop3A_421, %parallel_loop3A_422, %parallel_loop3A_423, %parallel_loop3A_424] {strides = array<i32>} : memref<9x6x8x128xf32, #tpu.memory_space<vmem>>, vector<1x1x1x16xf32>,
      %parallel_loop3A_426 = vector.shape_cast %parallel_loop3A_425 : vector<1x1x1x16xf32> to vector<16xf32>
      %parallel_loop3A_427 = arith.constant 4 : i32
      %parallel_loop3A_428 = arith.constant 3 : i32
      %parallel_loop3A_429 = arith.index_cast %parallel_loop3A_427 : i32 to index
      %parallel_loop3A_430 = arith.index_cast %parallel_loop3A_127 : i32 to index
      %parallel_loop3A_431 = arith.index_cast %parallel_loop3A_428 : i32 to index
      %parallel_loop3A_432 = arith.index_cast %parallel_loop3A_146 : i32 to index
      %parallel_loop3A_433 = tpu.vector_load %arg4[%parallel_loop3A_429, %parallel_loop3A_430, %parallel_loop3A_431, %parallel_loop3A_432] {strides = array<i32>} : memref<9x6x8x128xf32, #tpu.memory_space<vmem>>, vector<1x1x1x16xf32>,
      %parallel_loop3A_434 = vector.shape_cast %parallel_loop3A_433 : vector<1x1x1x16xf32> to vector<16xf32>
      %parallel_loop3A_435 = arith.constant 4 : i32
      %parallel_loop3A_436 = arith.constant 4 : i32
      %parallel_loop3A_437 = arith.index_cast %parallel_loop3A_435 : i32 to index
      %parallel_loop3A_438 = arith.index_cast %parallel_loop3A_127 : i32 to index
      %parallel_loop3A_439 = arith.index_cast %parallel_loop3A_436 : i32 to index
      %parallel_loop3A_440 = arith.index_cast %parallel_loop3A_146 : i32 to index
      %parallel_loop3A_441 = tpu.vector_load %arg4[%parallel_loop3A_437, %parallel_loop3A_438, %parallel_loop3A_439, %parallel_loop3A_440] {strides = array<i32>} : memref<9x6x8x128xf32, #tpu.memory_space<vmem>>, vector<1x1x1x16xf32>,
      %parallel_loop3A_442 = vector.shape_cast %parallel_loop3A_441 : vector<1x1x1x16xf32> to vector<16xf32>
      %parallel_loop3A_443 = arith.constant 4 : i32
      %parallel_loop3A_444 = arith.constant 5 : i32
      %parallel_loop3A_445 = arith.index_cast %parallel_loop3A_443 : i32 to index
      %parallel_loop3A_446 = arith.index_cast %parallel_loop3A_127 : i32 to index
      %parallel_loop3A_447 = arith.index_cast %parallel_loop3A_444 : i32 to index
      %parallel_loop3A_448 = arith.index_cast %parallel_loop3A_146 : i32 to index
      %parallel_loop3A_449 = tpu.vector_load %arg4[%parallel_loop3A_445, %parallel_loop3A_446, %parallel_loop3A_447, %parallel_loop3A_448] {strides = array<i32>} : memref<9x6x8x128xf32, #tpu.memory_space<vmem>>, vector<1x1x1x16xf32>,
      %parallel_loop3A_450 = vector.shape_cast %parallel_loop3A_449 : vector<1x1x1x16xf32> to vector<16xf32>
      %parallel_loop3A_451 = arith.constant 4 : i32
      %parallel_loop3A_452 = arith.constant 6 : i32
      %parallel_loop3A_453 = arith.index_cast %parallel_loop3A_451 : i32 to index
      %parallel_loop3A_454 = arith.index_cast %parallel_loop3A_127 : i32 to index
      %parallel_loop3A_455 = arith.index_cast %parallel_loop3A_452 : i32 to index
      %parallel_loop3A_456 = arith.index_cast %parallel_loop3A_146 : i32 to index
      %parallel_loop3A_457 = tpu.vector_load %arg4[%parallel_loop3A_453, %parallel_loop3A_454, %parallel_loop3A_455, %parallel_loop3A_456] {strides = array<i32>} : memref<9x6x8x128xf32, #tpu.memory_space<vmem>>, vector<1x1x1x16xf32>,
      %parallel_loop3A_458 = vector.shape_cast %parallel_loop3A_457 : vector<1x1x1x16xf32> to vector<16xf32>
      %parallel_loop3A_459 = arith.constant 4 : i32
      %parallel_loop3A_460 = arith.constant 7 : i32
      %parallel_loop3A_461 = arith.index_cast %parallel_loop3A_459 : i32 to index
      %parallel_loop3A_462 = arith.index_cast %parallel_loop3A_127 : i32 to index
      %parallel_loop3A_463 = arith.index_cast %parallel_loop3A_460 : i32 to index
      %parallel_loop3A_464 = arith.index_cast %parallel_loop3A_146 : i32 to index
      %parallel_loop3A_465 = tpu.vector_load %arg4[%parallel_loop3A_461, %parallel_loop3A_462, %parallel_loop3A_463, %parallel_loop3A_464] {strides = array<i32>} : memref<9x6x8x128xf32, #tpu.memory_space<vmem>>, vector<1x1x1x16xf32>,
      %parallel_loop3A_466 = vector.shape_cast %parallel_loop3A_465 : vector<1x1x1x16xf32> to vector<16xf32>
      %parallel_loop3A_467 = arith.constant 5 : i32
      %parallel_loop3A_468 = arith.constant 0 : i32
      %parallel_loop3A_469 = arith.index_cast %parallel_loop3A_467 : i32 to index
      %parallel_loop3A_470 = arith.index_cast %parallel_loop3A_127 : i32 to index
      %parallel_loop3A_471 = arith.index_cast %parallel_loop3A_468 : i32 to index
      %parallel_loop3A_472 = arith.index_cast %parallel_loop3A_146 : i32 to index
      %parallel_loop3A_473 = tpu.vector_load %arg4[%parallel_loop3A_469, %parallel_loop3A_470, %parallel_loop3A_471, %parallel_loop3A_472] {strides = array<i32>} : memref<9x6x8x128xf32, #tpu.memory_space<vmem>>, vector<1x1x1x16xf32>,
      %parallel_loop3A_474 = vector.shape_cast %parallel_loop3A_473 : vector<1x1x1x16xf32> to vector<16xf32>
      %parallel_loop3A_475 = arith.constant 5 : i32
      %parallel_loop3A_476 = arith.constant 1 : i32
      %parallel_loop3A_477 = arith.index_cast %parallel_loop3A_475 : i32 to index
      %parallel_loop3A_478 = arith.index_cast %parallel_loop3A_127 : i32 to index
      %parallel_loop3A_479 = arith.index_cast %parallel_loop3A_476 : i32 to index
      %parallel_loop3A_480 = arith.index_cast %parallel_loop3A_146 : i32 to index
      %parallel_loop3A_481 = tpu.vector_load %arg4[%parallel_loop3A_477, %parallel_loop3A_478, %parallel_loop3A_479, %parallel_loop3A_480] {strides = array<i32>} : memref<9x6x8x128xf32, #tpu.memory_space<vmem>>, vector<1x1x1x16xf32>,
      %parallel_loop3A_482 = vector.shape_cast %parallel_loop3A_481 : vector<1x1x1x16xf32> to vector<16xf32>
      %parallel_loop3A_483 = arith.constant 5 : i32
      %parallel_loop3A_484 = arith.constant 2 : i32
      %parallel_loop3A_485 = arith.index_cast %parallel_loop3A_483 : i32 to index
      %parallel_loop3A_486 = arith.index_cast %parallel_loop3A_127 : i32 to index
      %parallel_loop3A_487 = arith.index_cast %parallel_loop3A_484 : i32 to index
      %parallel_loop3A_488 = arith.index_cast %parallel_loop3A_146 : i32 to index
      %parallel_loop3A_489 = tpu.vector_load %arg4[%parallel_loop3A_485, %parallel_loop3A_486, %parallel_loop3A_487, %parallel_loop3A_488] {strides = array<i32>} : memref<9x6x8x128xf32, #tpu.memory_space<vmem>>, vector<1x1x1x16xf32>,
      %parallel_loop3A_490 = vector.shape_cast %parallel_loop3A_489 : vector<1x1x1x16xf32> to vector<16xf32>
      %parallel_loop3A_491 = arith.constant 5 : i32
      %parallel_loop3A_492 = arith.constant 3 : i32
      %parallel_loop3A_493 = arith.index_cast %parallel_loop3A_491 : i32 to index
      %parallel_loop3A_494 = arith.index_cast %parallel_loop3A_127 : i32 to index
      %parallel_loop3A_495 = arith.index_cast %parallel_loop3A_492 : i32 to index
      %parallel_loop3A_496 = arith.index_cast %parallel_loop3A_146 : i32 to index
      %parallel_loop3A_497 = tpu.vector_load %arg4[%parallel_loop3A_493, %parallel_loop3A_494, %parallel_loop3A_495, %parallel_loop3A_496] {strides = array<i32>} : memref<9x6x8x128xf32, #tpu.memory_space<vmem>>, vector<1x1x1x16xf32>,
      %parallel_loop3A_498 = vector.shape_cast %parallel_loop3A_497 : vector<1x1x1x16xf32> to vector<16xf32>
      %parallel_loop3A_499 = arith.constant 5 : i32
      %parallel_loop3A_500 = arith.constant 4 : i32
      %parallel_loop3A_501 = arith.index_cast %parallel_loop3A_499 : i32 to index
      %parallel_loop3A_502 = arith.index_cast %parallel_loop3A_127 : i32 to index
      %parallel_loop3A_503 = arith.index_cast %parallel_loop3A_500 : i32 to index
      %parallel_loop3A_504 = arith.index_cast %parallel_loop3A_146 : i32 to index
      %parallel_loop3A_505 = tpu.vector_load %arg4[%parallel_loop3A_501, %parallel_loop3A_502, %parallel_loop3A_503, %parallel_loop3A_504] {strides = array<i32>} : memref<9x6x8x128xf32, #tpu.memory_space<vmem>>, vector<1x1x1x16xf32>,
      %parallel_loop3A_506 = vector.shape_cast %parallel_loop3A_505 : vector<1x1x1x16xf32> to vector<16xf32>
      %parallel_loop3A_507 = arith.constant 5 : i32
      %parallel_loop3A_508 = arith.constant 5 : i32
      %parallel_loop3A_509 = arith.index_cast %parallel_loop3A_507 : i32 to index
      %parallel_loop3A_510 = arith.index_cast %parallel_loop3A_127 : i32 to index
      %parallel_loop3A_511 = arith.index_cast %parallel_loop3A_508 : i32 to index
      %parallel_loop3A_512 = arith.index_cast %parallel_loop3A_146 : i32 to index
      %parallel_loop3A_513 = tpu.vector_load %arg4[%parallel_loop3A_509, %parallel_loop3A_510, %parallel_loop3A_511, %parallel_loop3A_512] {strides = array<i32>} : memref<9x6x8x128xf32, #tpu.memory_space<vmem>>, vector<1x1x1x16xf32>,
      %parallel_loop3A_514 = vector.shape_cast %parallel_loop3A_513 : vector<1x1x1x16xf32> to vector<16xf32>
      %parallel_loop3A_515 = arith.constant 5 : i32
      %parallel_loop3A_516 = arith.constant 6 : i32
      %parallel_loop3A_517 = arith.index_cast %parallel_loop3A_515 : i32 to index
      %parallel_loop3A_518 = arith.index_cast %parallel_loop3A_127 : i32 to index
      %parallel_loop3A_519 = arith.index_cast %parallel_loop3A_516 : i32 to index
      %parallel_loop3A_520 = arith.index_cast %parallel_loop3A_146 : i32 to index
      %parallel_loop3A_521 = tpu.vector_load %arg4[%parallel_loop3A_517, %parallel_loop3A_518, %parallel_loop3A_519, %parallel_loop3A_520] {strides = array<i32>} : memref<9x6x8x128xf32, #tpu.memory_space<vmem>>, vector<1x1x1x16xf32>,
      %parallel_loop3A_522 = vector.shape_cast %parallel_loop3A_521 : vector<1x1x1x16xf32> to vector<16xf32>
      %parallel_loop3A_523 = arith.constant 5 : i32
      %parallel_loop3A_524 = arith.constant 7 : i32
      %parallel_loop3A_525 = arith.index_cast %parallel_loop3A_523 : i32 to index
      %parallel_loop3A_526 = arith.index_cast %parallel_loop3A_127 : i32 to index
      %parallel_loop3A_527 = arith.index_cast %parallel_loop3A_524 : i32 to index
      %parallel_loop3A_528 = arith.index_cast %parallel_loop3A_146 : i32 to index
      %parallel_loop3A_529 = tpu.vector_load %arg4[%parallel_loop3A_525, %parallel_loop3A_526, %parallel_loop3A_527, %parallel_loop3A_528] {strides = array<i32>} : memref<9x6x8x128xf32, #tpu.memory_space<vmem>>, vector<1x1x1x16xf32>,
      %parallel_loop3A_530 = vector.shape_cast %parallel_loop3A_529 : vector<1x1x1x16xf32> to vector<16xf32>
      %parallel_loop3A_531 = arith.constant 6 : i32
      %parallel_loop3A_532 = arith.constant 0 : i32
      %parallel_loop3A_533 = arith.index_cast %parallel_loop3A_531 : i32 to index
      %parallel_loop3A_534 = arith.index_cast %parallel_loop3A_127 : i32 to index
      %parallel_loop3A_535 = arith.index_cast %parallel_loop3A_532 : i32 to index
      %parallel_loop3A_536 = arith.index_cast %parallel_loop3A_146 : i32 to index
      %parallel_loop3A_537 = tpu.vector_load %arg4[%parallel_loop3A_533, %parallel_loop3A_534, %parallel_loop3A_535, %parallel_loop3A_536] {strides = array<i32>} : memref<9x6x8x128xf32, #tpu.memory_space<vmem>>, vector<1x1x1x16xf32>,
      %parallel_loop3A_538 = vector.shape_cast %parallel_loop3A_537 : vector<1x1x1x16xf32> to vector<16xf32>
      %parallel_loop3A_539 = arith.constant 6 : i32
      %parallel_loop3A_540 = arith.constant 1 : i32
      %parallel_loop3A_541 = arith.index_cast %parallel_loop3A_539 : i32 to index
      %parallel_loop3A_542 = arith.index_cast %parallel_loop3A_127 : i32 to index
      %parallel_loop3A_543 = arith.index_cast %parallel_loop3A_540 : i32 to index
      %parallel_loop3A_544 = arith.index_cast %parallel_loop3A_146 : i32 to index
      %parallel_loop3A_545 = tpu.vector_load %arg4[%parallel_loop3A_541, %parallel_loop3A_542, %parallel_loop3A_543, %parallel_loop3A_544] {strides = array<i32>} : memref<9x6x8x128xf32, #tpu.memory_space<vmem>>, vector<1x1x1x16xf32>,
      %parallel_loop3A_546 = vector.shape_cast %parallel_loop3A_545 : vector<1x1x1x16xf32> to vector<16xf32>
      %parallel_loop3A_547 = arith.constant 6 : i32
      %parallel_loop3A_548 = arith.constant 2 : i32
      %parallel_loop3A_549 = arith.index_cast %parallel_loop3A_547 : i32 to index
      %parallel_loop3A_550 = arith.index_cast %parallel_loop3A_127 : i32 to index
      %parallel_loop3A_551 = arith.index_cast %parallel_loop3A_548 : i32 to index
      %parallel_loop3A_552 = arith.index_cast %parallel_loop3A_146 : i32 to index
      %parallel_loop3A_553 = tpu.vector_load %arg4[%parallel_loop3A_549, %parallel_loop3A_550, %parallel_loop3A_551, %parallel_loop3A_552] {strides = array<i32>} : memref<9x6x8x128xf32, #tpu.memory_space<vmem>>, vector<1x1x1x16xf32>,
      %parallel_loop3A_554 = vector.shape_cast %parallel_loop3A_553 : vector<1x1x1x16xf32> to vector<16xf32>
      %parallel_loop3A_555 = arith.constant 6 : i32
      %parallel_loop3A_556 = arith.constant 3 : i32
      %parallel_loop3A_557 = arith.index_cast %parallel_loop3A_555 : i32 to index
      %parallel_loop3A_558 = arith.index_cast %parallel_loop3A_127 : i32 to index
      %parallel_loop3A_559 = arith.index_cast %parallel_loop3A_556 : i32 to index
      %parallel_loop3A_560 = arith.index_cast %parallel_loop3A_146 : i32 to index
      %parallel_loop3A_561 = tpu.vector_load %arg4[%parallel_loop3A_557, %parallel_loop3A_558, %parallel_loop3A_559, %parallel_loop3A_560] {strides = array<i32>} : memref<9x6x8x128xf32, #tpu.memory_space<vmem>>, vector<1x1x1x16xf32>,
      %parallel_loop3A_562 = vector.shape_cast %parallel_loop3A_561 : vector<1x1x1x16xf32> to vector<16xf32>
      %parallel_loop3A_563 = arith.constant 6 : i32
      %parallel_loop3A_564 = arith.constant 4 : i32
      %parallel_loop3A_565 = arith.index_cast %parallel_loop3A_563 : i32 to index
      %parallel_loop3A_566 = arith.index_cast %parallel_loop3A_127 : i32 to index
      %parallel_loop3A_567 = arith.index_cast %parallel_loop3A_564 : i32 to index
      %parallel_loop3A_568 = arith.index_cast %parallel_loop3A_146 : i32 to index
      %parallel_loop3A_569 = tpu.vector_load %arg4[%parallel_loop3A_565, %parallel_loop3A_566, %parallel_loop3A_567, %parallel_loop3A_568] {strides = array<i32>} : memref<9x6x8x128xf32, #tpu.memory_space<vmem>>, vector<1x1x1x16xf32>,
      %parallel_loop3A_570 = vector.shape_cast %parallel_loop3A_569 : vector<1x1x1x16xf32> to vector<16xf32>
      %parallel_loop3A_571 = arith.constant 6 : i32
      %parallel_loop3A_572 = arith.constant 5 : i32
      %parallel_loop3A_573 = arith.index_cast %parallel_loop3A_571 : i32 to index
      %parallel_loop3A_574 = arith.index_cast %parallel_loop3A_127 : i32 to index
      %parallel_loop3A_575 = arith.index_cast %parallel_loop3A_572 : i32 to index
      %parallel_loop3A_576 = arith.index_cast %parallel_loop3A_146 : i32 to index
      %parallel_loop3A_577 = tpu.vector_load %arg4[%parallel_loop3A_573, %parallel_loop3A_574, %parallel_loop3A_575, %parallel_loop3A_576] {strides = array<i32>} : memref<9x6x8x128xf32, #tpu.memory_space<vmem>>, vector<1x1x1x16xf32>,
      %parallel_loop3A_578 = vector.shape_cast %parallel_loop3A_577 : vector<1x1x1x16xf32> to vector<16xf32>
      %parallel_loop3A_579 = arith.constant 6 : i32
      %parallel_loop3A_580 = arith.constant 6 : i32
      %parallel_loop3A_581 = arith.index_cast %parallel_loop3A_579 : i32 to index
      %parallel_loop3A_582 = arith.index_cast %parallel_loop3A_127 : i32 to index
      %parallel_loop3A_583 = arith.index_cast %parallel_loop3A_580 : i32 to index
      %parallel_loop3A_584 = arith.index_cast %parallel_loop3A_146 : i32 to index
      %parallel_loop3A_585 = tpu.vector_load %arg4[%parallel_loop3A_581, %parallel_loop3A_582, %parallel_loop3A_583, %parallel_loop3A_584] {strides = array<i32>} : memref<9x6x8x128xf32, #tpu.memory_space<vmem>>, vector<1x1x1x16xf32>,
      %parallel_loop3A_586 = vector.shape_cast %parallel_loop3A_585 : vector<1x1x1x16xf32> to vector<16xf32>
      %parallel_loop3A_587 = arith.constant 6 : i32
      %parallel_loop3A_588 = arith.constant 7 : i32
      %parallel_loop3A_589 = arith.index_cast %parallel_loop3A_587 : i32 to index
      %parallel_loop3A_590 = arith.index_cast %parallel_loop3A_127 : i32 to index
      %parallel_loop3A_591 = arith.index_cast %parallel_loop3A_588 : i32 to index
      %parallel_loop3A_592 = arith.index_cast %parallel_loop3A_146 : i32 to index
      %parallel_loop3A_593 = tpu.vector_load %arg4[%parallel_loop3A_589, %parallel_loop3A_590, %parallel_loop3A_591, %parallel_loop3A_592] {strides = array<i32>} : memref<9x6x8x128xf32, #tpu.memory_space<vmem>>, vector<1x1x1x16xf32>,
      %parallel_loop3A_594 = vector.shape_cast %parallel_loop3A_593 : vector<1x1x1x16xf32> to vector<16xf32>
      %parallel_loop3A_595 = arith.constant 7 : i32
      %parallel_loop3A_596 = arith.constant 0 : i32
      %parallel_loop3A_597 = arith.index_cast %parallel_loop3A_595 : i32 to index
      %parallel_loop3A_598 = arith.index_cast %parallel_loop3A_127 : i32 to index
      %parallel_loop3A_599 = arith.index_cast %parallel_loop3A_596 : i32 to index
      %parallel_loop3A_600 = arith.index_cast %parallel_loop3A_146 : i32 to index
      %parallel_loop3A_601 = tpu.vector_load %arg4[%parallel_loop3A_597, %parallel_loop3A_598, %parallel_loop3A_599, %parallel_loop3A_600] {strides = array<i32>} : memref<9x6x8x128xf32, #tpu.memory_space<vmem>>, vector<1x1x1x16xf32>,
      %parallel_loop3A_602 = vector.shape_cast %parallel_loop3A_601 : vector<1x1x1x16xf32> to vector<16xf32>
      %parallel_loop3A_603 = arith.constant 7 : i32
      %parallel_loop3A_604 = arith.constant 1 : i32
      %parallel_loop3A_605 = arith.index_cast %parallel_loop3A_603 : i32 to index
      %parallel_loop3A_606 = arith.index_cast %parallel_loop3A_127 : i32 to index
      %parallel_loop3A_607 = arith.index_cast %parallel_loop3A_604 : i32 to index
      %parallel_loop3A_608 = arith.index_cast %parallel_loop3A_146 : i32 to index
      %parallel_loop3A_609 = tpu.vector_load %arg4[%parallel_loop3A_605, %parallel_loop3A_606, %parallel_loop3A_607, %parallel_loop3A_608] {strides = array<i32>} : memref<9x6x8x128xf32, #tpu.memory_space<vmem>>, vector<1x1x1x16xf32>,
      %parallel_loop3A_610 = vector.shape_cast %parallel_loop3A_609 : vector<1x1x1x16xf32> to vector<16xf32>
      %parallel_loop3A_611 = arith.constant 7 : i32
      %parallel_loop3A_612 = arith.constant 2 : i32
      %parallel_loop3A_613 = arith.index_cast %parallel_loop3A_611 : i32 to index
      %parallel_loop3A_614 = arith.index_cast %parallel_loop3A_127 : i32 to index
      %parallel_loop3A_615 = arith.index_cast %parallel_loop3A_612 : i32 to index
      %parallel_loop3A_616 = arith.index_cast %parallel_loop3A_146 : i32 to index
      %parallel_loop3A_617 = tpu.vector_load %arg4[%parallel_loop3A_613, %parallel_loop3A_614, %parallel_loop3A_615, %parallel_loop3A_616] {strides = array<i32>} : memref<9x6x8x128xf32, #tpu.memory_space<vmem>>, vector<1x1x1x16xf32>,
      %parallel_loop3A_618 = vector.shape_cast %parallel_loop3A_617 : vector<1x1x1x16xf32> to vector<16xf32>
      %parallel_loop3A_619 = arith.constant 7 : i32
      %parallel_loop3A_620 = arith.constant 3 : i32
      %parallel_loop3A_621 = arith.index_cast %parallel_loop3A_619 : i32 to index
      %parallel_loop3A_622 = arith.index_cast %parallel_loop3A_127 : i32 to index
      %parallel_loop3A_623 = arith.index_cast %parallel_loop3A_620 : i32 to index
      %parallel_loop3A_624 = arith.index_cast %parallel_loop3A_146 : i32 to index
      %parallel_loop3A_625 = tpu.vector_load %arg4[%parallel_loop3A_621, %parallel_loop3A_622, %parallel_loop3A_623, %parallel_loop3A_624] {strides = array<i32>} : memref<9x6x8x128xf32, #tpu.memory_space<vmem>>, vector<1x1x1x16xf32>,
      %parallel_loop3A_626 = vector.shape_cast %parallel_loop3A_625 : vector<1x1x1x16xf32> to vector<16xf32>
      %parallel_loop3A_627 = arith.constant 7 : i32
      %parallel_loop3A_628 = arith.constant 4 : i32
      %parallel_loop3A_629 = arith.index_cast %parallel_loop3A_627 : i32 to index
      %parallel_loop3A_630 = arith.index_cast %parallel_loop3A_127 : i32 to index
      %parallel_loop3A_631 = arith.index_cast %parallel_loop3A_628 : i32 to index
      %parallel_loop3A_632 = arith.index_cast %parallel_loop3A_146 : i32 to index
      %parallel_loop3A_633 = tpu.vector_load %arg4[%parallel_loop3A_629, %parallel_loop3A_630, %parallel_loop3A_631, %parallel_loop3A_632] {strides = array<i32>} : memref<9x6x8x128xf32, #tpu.memory_space<vmem>>, vector<1x1x1x16xf32>,
      %parallel_loop3A_634 = vector.shape_cast %parallel_loop3A_633 : vector<1x1x1x16xf32> to vector<16xf32>
      %parallel_loop3A_635 = arith.constant 7 : i32
      %parallel_loop3A_636 = arith.constant 5 : i32
      %parallel_loop3A_637 = arith.index_cast %parallel_loop3A_635 : i32 to index
      %parallel_loop3A_638 = arith.index_cast %parallel_loop3A_127 : i32 to index
      %parallel_loop3A_639 = arith.index_cast %parallel_loop3A_636 : i32 to index
      %parallel_loop3A_640 = arith.index_cast %parallel_loop3A_146 : i32 to index
      %parallel_loop3A_641 = tpu.vector_load %arg4[%parallel_loop3A_637, %parallel_loop3A_638, %parallel_loop3A_639, %parallel_loop3A_640] {strides = array<i32>} : memref<9x6x8x128xf32, #tpu.memory_space<vmem>>, vector<1x1x1x16xf32>,
      %parallel_loop3A_642 = vector.shape_cast %parallel_loop3A_641 : vector<1x1x1x16xf32> to vector<16xf32>
      %parallel_loop3A_643 = arith.constant 7 : i32
      %parallel_loop3A_644 = arith.constant 6 : i32
      %parallel_loop3A_645 = arith.index_cast %parallel_loop3A_643 : i32 to index
      %parallel_loop3A_646 = arith.index_cast %parallel_loop3A_127 : i32 to index
      %parallel_loop3A_647 = arith.index_cast %parallel_loop3A_644 : i32 to index
      %parallel_loop3A_648 = arith.index_cast %parallel_loop3A_146 : i32 to index
      %parallel_loop3A_649 = tpu.vector_load %arg4[%parallel_loop3A_645, %parallel_loop3A_646, %parallel_loop3A_647, %parallel_loop3A_648] {strides = array<i32>} : memref<9x6x8x128xf32, #tpu.memory_space<vmem>>, vector<1x1x1x16xf32>,
      %parallel_loop3A_650 = vector.shape_cast %parallel_loop3A_649 : vector<1x1x1x16xf32> to vector<16xf32>
      %parallel_loop3A_651 = arith.constant 7 : i32
      %parallel_loop3A_652 = arith.constant 7 : i32
      %parallel_loop3A_653 = arith.index_cast %parallel_loop3A_651 : i32 to index
      %parallel_loop3A_654 = arith.index_cast %parallel_loop3A_127 : i32 to index
      %parallel_loop3A_655 = arith.index_cast %parallel_loop3A_652 : i32 to index
      %parallel_loop3A_656 = arith.index_cast %parallel_loop3A_146 : i32 to index
      %parallel_loop3A_657 = tpu.vector_load %arg4[%parallel_loop3A_653, %parallel_loop3A_654, %parallel_loop3A_655, %parallel_loop3A_656] {strides = array<i32>} : memref<9x6x8x128xf32, #tpu.memory_space<vmem>>, vector<1x1x1x16xf32>,
      %parallel_loop3A_658 = vector.shape_cast %parallel_loop3A_657 : vector<1x1x1x16xf32> to vector<16xf32>
      %parallel_loop3A_659 = arith.constant 8 : i32
      %parallel_loop3A_660 = arith.constant 0 : i32
      %parallel_loop3A_661 = arith.index_cast %parallel_loop3A_659 : i32 to index
      %parallel_loop3A_662 = arith.index_cast %parallel_loop3A_127 : i32 to index
      %parallel_loop3A_663 = arith.index_cast %parallel_loop3A_660 : i32 to index
      %parallel_loop3A_664 = arith.index_cast %parallel_loop3A_146 : i32 to index
      %parallel_loop3A_665 = tpu.vector_load %arg4[%parallel_loop3A_661, %parallel_loop3A_662, %parallel_loop3A_663, %parallel_loop3A_664] {strides = array<i32>} : memref<9x6x8x128xf32, #tpu.memory_space<vmem>>, vector<1x1x1x16xf32>,
      %parallel_loop3A_666 = vector.shape_cast %parallel_loop3A_665 : vector<1x1x1x16xf32> to vector<16xf32>
      %parallel_loop3A_667 = arith.constant 8 : i32
      %parallel_loop3A_668 = arith.constant 1 : i32
      %parallel_loop3A_669 = arith.index_cast %parallel_loop3A_667 : i32 to index
      %parallel_loop3A_670 = arith.index_cast %parallel_loop3A_127 : i32 to index
      %parallel_loop3A_671 = arith.index_cast %parallel_loop3A_668 : i32 to index
      %parallel_loop3A_672 = arith.index_cast %parallel_loop3A_146 : i32 to index
      %parallel_loop3A_673 = tpu.vector_load %arg4[%parallel_loop3A_669, %parallel_loop3A_670, %parallel_loop3A_671, %parallel_loop3A_672] {strides = array<i32>} : memref<9x6x8x128xf32, #tpu.memory_space<vmem>>, vector<1x1x1x16xf32>,
      %parallel_loop3A_674 = vector.shape_cast %parallel_loop3A_673 : vector<1x1x1x16xf32> to vector<16xf32>
      %parallel_loop3A_675 = arith.constant 8 : i32
      %parallel_loop3A_676 = arith.constant 2 : i32
      %parallel_loop3A_677 = arith.index_cast %parallel_loop3A_675 : i32 to index
      %parallel_loop3A_678 = arith.index_cast %parallel_loop3A_127 : i32 to index
      %parallel_loop3A_679 = arith.index_cast %parallel_loop3A_676 : i32 to index
      %parallel_loop3A_680 = arith.index_cast %parallel_loop3A_146 : i32 to index
      %parallel_loop3A_681 = tpu.vector_load %arg4[%parallel_loop3A_677, %parallel_loop3A_678, %parallel_loop3A_679, %parallel_loop3A_680] {strides = array<i32>} : memref<9x6x8x128xf32, #tpu.memory_space<vmem>>, vector<1x1x1x16xf32>,
      %parallel_loop3A_682 = vector.shape_cast %parallel_loop3A_681 : vector<1x1x1x16xf32> to vector<16xf32>
      %parallel_loop3A_683 = arith.constant 8 : i32
      %parallel_loop3A_684 = arith.constant 3 : i32
      %parallel_loop3A_685 = arith.index_cast %parallel_loop3A_683 : i32 to index
      %parallel_loop3A_686 = arith.index_cast %parallel_loop3A_127 : i32 to index
      %parallel_loop3A_687 = arith.index_cast %parallel_loop3A_684 : i32 to index
      %parallel_loop3A_688 = arith.index_cast %parallel_loop3A_146 : i32 to index
      %parallel_loop3A_689 = tpu.vector_load %arg4[%parallel_loop3A_685, %parallel_loop3A_686, %parallel_loop3A_687, %parallel_loop3A_688] {strides = array<i32>} : memref<9x6x8x128xf32, #tpu.memory_space<vmem>>, vector<1x1x1x16xf32>,
      %parallel_loop3A_690 = vector.shape_cast %parallel_loop3A_689 : vector<1x1x1x16xf32> to vector<16xf32>
      %parallel_loop3A_691 = arith.constant 8 : i32
      %parallel_loop3A_692 = arith.constant 4 : i32
      %parallel_loop3A_693 = arith.index_cast %parallel_loop3A_691 : i32 to index
      %parallel_loop3A_694 = arith.index_cast %parallel_loop3A_127 : i32 to index
      %parallel_loop3A_695 = arith.index_cast %parallel_loop3A_692 : i32 to index
      %parallel_loop3A_696 = arith.index_cast %parallel_loop3A_146 : i32 to index
      %parallel_loop3A_697 = tpu.vector_load %arg4[%parallel_loop3A_693, %parallel_loop3A_694, %parallel_loop3A_695, %parallel_loop3A_696] {strides = array<i32>} : memref<9x6x8x128xf32, #tpu.memory_space<vmem>>, vector<1x1x1x16xf32>,
      %parallel_loop3A_698 = vector.shape_cast %parallel_loop3A_697 : vector<1x1x1x16xf32> to vector<16xf32>
      %parallel_loop3A_699 = arith.constant 8 : i32
      %parallel_loop3A_700 = arith.constant 5 : i32
      %parallel_loop3A_701 = arith.index_cast %parallel_loop3A_699 : i32 to index
      %parallel_loop3A_702 = arith.index_cast %parallel_loop3A_127 : i32 to index
      %parallel_loop3A_703 = arith.index_cast %parallel_loop3A_700 : i32 to index
      %parallel_loop3A_704 = arith.index_cast %parallel_loop3A_146 : i32 to index
      %parallel_loop3A_705 = tpu.vector_load %arg4[%parallel_loop3A_701, %parallel_loop3A_702, %parallel_loop3A_703, %parallel_loop3A_704] {strides = array<i32>} : memref<9x6x8x128xf32, #tpu.memory_space<vmem>>, vector<1x1x1x16xf32>,
      %parallel_loop3A_706 = vector.shape_cast %parallel_loop3A_705 : vector<1x1x1x16xf32> to vector<16xf32>
      %parallel_loop3A_707 = arith.constant 8 : i32
      %parallel_loop3A_708 = arith.constant 6 : i32
      %parallel_loop3A_709 = arith.index_cast %parallel_loop3A_707 : i32 to index
      %parallel_loop3A_710 = arith.index_cast %parallel_loop3A_127 : i32 to index
      %parallel_loop3A_711 = arith.index_cast %parallel_loop3A_708 : i32 to index
      %parallel_loop3A_712 = arith.index_cast %parallel_loop3A_146 : i32 to index
      %parallel_loop3A_713 = tpu.vector_load %arg4[%parallel_loop3A_709, %parallel_loop3A_710, %parallel_loop3A_711, %parallel_loop3A_712] {strides = array<i32>} : memref<9x6x8x128xf32, #tpu.memory_space<vmem>>, vector<1x1x1x16xf32>,
      %parallel_loop3A_714 = vector.shape_cast %parallel_loop3A_713 : vector<1x1x1x16xf32> to vector<16xf32>
      %parallel_loop3A_715 = arith.constant 8 : i32
      %parallel_loop3A_716 = arith.constant 7 : i32
      %parallel_loop3A_717 = arith.index_cast %parallel_loop3A_715 : i32 to index
      %parallel_loop3A_718 = arith.index_cast %parallel_loop3A_127 : i32 to index
      %parallel_loop3A_719 = arith.index_cast %parallel_loop3A_716 : i32 to index
      %parallel_loop3A_720 = arith.index_cast %parallel_loop3A_146 : i32 to index
      %parallel_loop3A_721 = tpu.vector_load %arg4[%parallel_loop3A_717, %parallel_loop3A_718, %parallel_loop3A_719, %parallel_loop3A_720] {strides = array<i32>} : memref<9x6x8x128xf32, #tpu.memory_space<vmem>>, vector<1x1x1x16xf32>,
      %parallel_loop3A_722 = vector.shape_cast %parallel_loop3A_721 : vector<1x1x1x16xf32> to vector<16xf32>
      %parallel_loop3A_723 = arith.addf %parallel_loop3A_154, %parallel_loop3A_162 : vector<16xf32>
      %parallel_loop3A_724 = arith.addf %parallel_loop3A_170, %parallel_loop3A_178 : vector<16xf32>
      %parallel_loop3A_725 = arith.addf %parallel_loop3A_186, %parallel_loop3A_194 : vector<16xf32>
      %parallel_loop3A_726 = arith.addf %parallel_loop3A_202, %parallel_loop3A_210 : vector<16xf32>
      %parallel_loop3A_727 = arith.addf %parallel_loop3A_218, %parallel_loop3A_226 : vector<16xf32>
      %parallel_loop3A_728 = arith.addf %parallel_loop3A_234, %parallel_loop3A_242 : vector<16xf32>
      %parallel_loop3A_729 = arith.addf %parallel_loop3A_250, %parallel_loop3A_258 : vector<16xf32>
      %parallel_loop3A_730 = arith.addf %parallel_loop3A_266, %parallel_loop3A_274 : vector<16xf32>
      %parallel_loop3A_731 = arith.addf %parallel_loop3A_282, %parallel_loop3A_290 : vector<16xf32>
      %parallel_loop3A_732 = arith.addf %parallel_loop3A_298, %parallel_loop3A_306 : vector<16xf32>
      %parallel_loop3A_733 = arith.addf %parallel_loop3A_314, %parallel_loop3A_322 : vector<16xf32>
      %parallel_loop3A_734 = arith.addf %parallel_loop3A_330, %parallel_loop3A_338 : vector<16xf32>
      %parallel_loop3A_735 = arith.addf %parallel_loop3A_346, %parallel_loop3A_354 : vector<16xf32>
      %parallel_loop3A_736 = arith.addf %parallel_loop3A_362, %parallel_loop3A_370 : vector<16xf32>
      %parallel_loop3A_737 = arith.addf %parallel_loop3A_378, %parallel_loop3A_386 : vector<16xf32>
      %parallel_loop3A_738 = arith.addf %parallel_loop3A_394, %parallel_loop3A_402 : vector<16xf32>
      %parallel_loop3A_739 = arith.addf %parallel_loop3A_410, %parallel_loop3A_418 : vector<16xf32>
      %parallel_loop3A_740 = arith.addf %parallel_loop3A_426, %parallel_loop3A_434 : vector<16xf32>
      %parallel_loop3A_741 = arith.addf %parallel_loop3A_442, %parallel_loop3A_450 : vector<16xf32>
      %parallel_loop3A_742 = arith.addf %parallel_loop3A_458, %parallel_loop3A_466 : vector<16xf32>
      %parallel_loop3A_743 = arith.addf %parallel_loop3A_474, %parallel_loop3A_482 : vector<16xf32>
      %parallel_loop3A_744 = arith.addf %parallel_loop3A_490, %parallel_loop3A_498 : vector<16xf32>
      %parallel_loop3A_745 = arith.addf %parallel_loop3A_506, %parallel_loop3A_514 : vector<16xf32>
      %parallel_loop3A_746 = arith.addf %parallel_loop3A_522, %parallel_loop3A_530 : vector<16xf32>
      %parallel_loop3A_747 = arith.addf %parallel_loop3A_538, %parallel_loop3A_546 : vector<16xf32>
      %parallel_loop3A_748 = arith.addf %parallel_loop3A_554, %parallel_loop3A_562 : vector<16xf32>
      %parallel_loop3A_749 = arith.addf %parallel_loop3A_570, %parallel_loop3A_578 : vector<16xf32>
      %parallel_loop3A_750 = arith.addf %parallel_loop3A_586, %parallel_loop3A_594 : vector<16xf32>
      %parallel_loop3A_751 = arith.addf %parallel_loop3A_602, %parallel_loop3A_610 : vector<16xf32>
      %parallel_loop3A_752 = arith.addf %parallel_loop3A_618, %parallel_loop3A_626 : vector<16xf32>
      %parallel_loop3A_753 = arith.addf %parallel_loop3A_634, %parallel_loop3A_642 : vector<16xf32>
      %parallel_loop3A_754 = arith.addf %parallel_loop3A_650, %parallel_loop3A_658 : vector<16xf32>
      %parallel_loop3A_755 = arith.addf %parallel_loop3A_666, %parallel_loop3A_674 : vector<16xf32>
      %parallel_loop3A_756 = arith.addf %parallel_loop3A_682, %parallel_loop3A_690 : vector<16xf32>
      %parallel_loop3A_757 = arith.addf %parallel_loop3A_698, %parallel_loop3A_706 : vector<16xf32>
      %parallel_loop3A_758 = arith.addf %parallel_loop3A_714, %parallel_loop3A_722 : vector<16xf32>
      %parallel_loop3A_759 = arith.addf %parallel_loop3A_723, %parallel_loop3A_724 : vector<16xf32>
      %parallel_loop3A_760 = arith.addf %parallel_loop3A_725, %parallel_loop3A_726 : vector<16xf32>
      %parallel_loop3A_761 = arith.addf %parallel_loop3A_727, %parallel_loop3A_728 : vector<16xf32>
      %parallel_loop3A_762 = arith.addf %parallel_loop3A_729, %parallel_loop3A_730 : vector<16xf32>
      %parallel_loop3A_763 = arith.addf %parallel_loop3A_731, %parallel_loop3A_732 : vector<16xf32>
      %parallel_loop3A_764 = arith.addf %parallel_loop3A_733, %parallel_loop3A_734 : vector<16xf32>
      %parallel_loop3A_765 = arith.addf %parallel_loop3A_735, %parallel_loop3A_736 : vector<16xf32>
      %parallel_loop3A_766 = arith.addf %parallel_loop3A_737, %parallel_loop3A_738 : vector<16xf32>
      %parallel_loop3A_767 = arith.addf %parallel_loop3A_739, %parallel_loop3A_740 : vector<16xf32>
      %parallel_loop3A_768 = arith.addf %parallel_loop3A_741, %parallel_loop3A_742 : vector<16xf32>
      %parallel_loop3A_769 = arith.addf %parallel_loop3A_743, %parallel_loop3A_744 : vector<16xf32>
      %parallel_loop3A_770 = arith.addf %parallel_loop3A_745, %parallel_loop3A_746 : vector<16xf32>
      %parallel_loop3A_771 = arith.addf %parallel_loop3A_747, %parallel_loop3A_748 : vector<16xf32>
      %parallel_loop3A_772 = arith.addf %parallel_loop3A_749, %parallel_loop3A_750 : vector<16xf32>
      %parallel_loop3A_773 = arith.addf %parallel_loop3A_751, %parallel_loop3A_752 : vector<16xf32>
      %parallel_loop3A_774 = arith.addf %parallel_loop3A_753, %parallel_loop3A_754 : vector<16xf32>
      %parallel_loop3A_775 = arith.addf %parallel_loop3A_755, %parallel_loop3A_756 : vector<16xf32>
      %parallel_loop3A_776 = arith.addf %parallel_loop3A_757, %parallel_loop3A_758 : vector<16xf32>
      %parallel_loop3A_777 = arith.addf %parallel_loop3A_759, %parallel_loop3A_760 : vector<16xf32>
      %parallel_loop3A_778 = arith.addf %parallel_loop3A_761, %parallel_loop3A_762 : vector<16xf32>
      %parallel_loop3A_779 = arith.addf %parallel_loop3A_763, %parallel_loop3A_764 : vector<16xf32>
      %parallel_loop3A_780 = arith.addf %parallel_loop3A_765, %parallel_loop3A_766 : vector<16xf32>
      %parallel_loop3A_781 = arith.addf %parallel_loop3A_767, %parallel_loop3A_768 : vector<16xf32>
      %parallel_loop3A_782 = arith.addf %parallel_loop3A_769, %parallel_loop3A_770 : vector<16xf32>
      %parallel_loop3A_783 = arith.addf %parallel_loop3A_771, %parallel_loop3A_772 : vector<16xf32>
      %parallel_loop3A_784 = arith.addf %parallel_loop3A_773, %parallel_loop3A_774 : vector<16xf32>
      %parallel_loop3A_785 = arith.addf %parallel_loop3A_775, %parallel_loop3A_776 : vector<16xf32>
      %parallel_loop3A_786 = arith.addf %parallel_loop3A_777, %parallel_loop3A_778 : vector<16xf32>
      %parallel_loop3A_787 = arith.addf %parallel_loop3A_779, %parallel_loop3A_780 : vector<16xf32>
      %parallel_loop3A_788 = arith.addf %parallel_loop3A_781, %parallel_loop3A_782 : vector<16xf32>
      %parallel_loop3A_789 = arith.addf %parallel_loop3A_783, %parallel_loop3A_784 : vector<16xf32>
      %parallel_loop3A_790 = arith.addf %parallel_loop3A_786, %parallel_loop3A_787 : vector<16xf32>
      %parallel_loop3A_791 = arith.addf %parallel_loop3A_788, %parallel_loop3A_789 : vector<16xf32>
      %parallel_loop3A_792 = arith.addf %parallel_loop3A_790, %parallel_loop3A_791 : vector<16xf32>
      %parallel_loop3A_793 = arith.addf %parallel_loop3A_792, %parallel_loop3A_785 : vector<16xf32>
      %parallel_loop3A_794 = arith.constant 16 : i32
      %parallel_loop3A_795 = arith.muli %parallel_loop3A_103, %parallel_loop3A_794 : i32
      %parallel_loop3A_796 = tpu.assume_multiple %parallel_loop3A_795, 16 : i32
      %parallel_loop3A_797 = arith.index_cast %parallel_loop3A_796 : i32 to index
      %parallel_loop3A_798 = tpu.vector_load %arg6[%parallel_loop3A_797] {strides = array<i32>} : memref<768xf32, #tpu.memory_space<vmem>>, vector<16xf32>,
      %parallel_loop3A_799 = vector.shape_cast %parallel_loop3A_798 : vector<16xf32> to vector<16xf32>
      %parallel_loop3A_800 = vector.shape_cast %parallel_loop3A_793 : vector<16xf32> to vector<16xf32>
      tpu.vector_store %arg6[%parallel_loop3A_797], %parallel_loop3A_800 {strides = array<i32>} : memref<768xf32, #tpu.memory_space<vmem>>, vector<16xf32>,
    } {sc.loop_unroll_factor = 1 : i64, sc.parallel_access}
    %mul3A_55 = arith.constant 2 : i32
    %mul3A_56 = arith.muli %select_n3A_30, %mul3A_55 : i32
    %jit3A_57 = arith.constant 8 : i32
    %div3A_58 = arith.divsi %select_n3A, %jit3A_57 : i32
    %sign3A_59 = arith.constant 0 : i32
    %sign3A_60 = arith.cmpi sgt, %select_n3A, %sign3A_59 : i32
    %sign3A_61 = arith.extui %sign3A_60 : i1 to i32
    %sign3A_62 = arith.constant 0 : i32
    %sign3A_63 = arith.cmpi slt, %select_n3A, %sign3A_62 : i32
    %sign3A_64 = arith.extui %sign3A_63 : i1 to i32
    %sign3A_65 = arith.subi %sign3A_61, %sign3A_64 : i32
    %sign3A_66 = arith.constant 0 : i32
    %sign3A_67 = arith.cmpi sgt, %jit3A_57, %sign3A_66 : i32
    %sign3A_68 = arith.extui %sign3A_67 : i1 to i32
    %sign3A_69 = arith.constant 0 : i32
    %sign3A_70 = arith.cmpi slt, %jit3A_57, %sign3A_69 : i32
    %sign3A_71 = arith.extui %sign3A_70 : i1 to i32
    %sign3A_72 = arith.subi %sign3A_68, %sign3A_71 : i32
    %ne3A_73 = arith.cmpi ne, %sign3A_65, %sign3A_72 : i32
    %rem3A_74 = arith.remsi %select_n3A, %jit3A_57 : i32
    %ne3A_75 = arith.constant 0 : i32
    %ne3A_76 = arith.cmpi ne, %rem3A_74, %ne3A_75 : i32
    %and3A_77 = arith.andi %ne3A_73, %ne3A_76 : i1
    %sub3A_78 = arith.constant 1 : i32
    %sub3A_79 = arith.subi %div3A_58, %sub3A_78 : i32
    %select_n3A_80 = arith.select %and3A_77, %sub3A_79, %div3A_58 : i32
    %add3A_81 = arith.addi %mul3A_56, %select_n3A_80 : i32
    %jit3A_82 = arith.constant 8 : i32
    %eq3A_83 = arith.constant 0 : i32
    %eq3A_84 = arith.cmpi eq, %jit3A_82, %eq3A_83 : i32
    %jit3A_85 = arith.constant 1 : i32
    %select_n3A_86 = arith.select %eq3A_84, %jit3A_85, %jit3A_82 : i32
    %rem3A_87 = arith.remsi %select_n3A, %select_n3A_86 : i32
    %ne3A_88 = arith.constant 0 : i32
    %ne3A_89 = arith.cmpi ne, %rem3A_87, %ne3A_88 : i32
    %lt3A_90 = arith.constant 0 : i32
    %lt3A_91 = arith.cmpi slt, %rem3A_87, %lt3A_90 : i32
    %lt3A_92 = arith.constant 0 : i32
    %lt3A_93 = arith.cmpi slt, %select_n3A_86, %lt3A_92 : i32
    %ne3A_94 = arith.xori %lt3A_91, %lt3A_93 : i1
    %and3A_95 = arith.andi %ne3A_94, %ne3A_89 : i1
    %add3A_96 = arith.addi %rem3A_87, %select_n3A_86 : i32
    %select_n3A_97 = arith.select %and3A_95, %add3A_96, %rem3A_87 : i32
    %run_scoped3A = arith.constant 0 : i32
    "tpu.region"() ({
      %run_scoped3A_103 = tpu.sem_alloc : memref<!tpu.dma_semaphore, #tpu.memory_space<semaphore_mem>>
      %dma_start3A_104 = arith.constant 0 : i32
      %dma_start3A_105 = tpu.memref_slice %arg6[%dma_start3A_104] : memref<768xf32, #tpu.memory_space<vmem>> -> memref<128xf32, #tpu.memory_space<vmem>>
      %dma_start3A_106 = arith.constant 0 : i32
      %dma_start3A_107 = tpu.memref_slice %arg3[%add3A_81, %run_scoped3A, %select_n3A_97, %dma_start3A_106] : memref<4x6x8x128xf32, #tpu.memory_space<hbm>> -> memref<1x1x1x128xf32, #tpu.memory_space<hbm>>
      %dma_start3A_108 = tpu.memref_squeeze %dma_start3A_107 : memref<1x1x1x128xf32, #tpu.memory_space<hbm>> -> memref<128xf32, #tpu.memory_space<hbm>>
      %dma_start3A_109 = arith.constant 0 : i32
      %dma_start3A_110 = tpu.memref_slice %arg3[%add3A_81, %run_scoped3A, %select_n3A_97, %dma_start3A_109] : memref<4x6x8x128xf32, #tpu.memory_space<hbm>> -> memref<1x1x1x128xf32, #tpu.memory_space<hbm>>
      %dma_start3A_111 = tpu.memref_squeeze %dma_start3A_110 : memref<1x1x1x128xf32, #tpu.memory_space<hbm>> -> memref<128xf32, #tpu.memory_space<hbm>>
      %dma_start3A_112 = arith.constant 0 : i32
      %dma_start3A_113 = tpu.memref_slice %arg6[%dma_start3A_112] : memref<768xf32, #tpu.memory_space<vmem>> -> memref<128xf32, #tpu.memory_space<vmem>>
      tpu.enqueue_dma source(%dma_start3A_113 : memref<128xf32, #tpu.memory_space<vmem>>) target(%dma_start3A_111 : memref<128xf32, #tpu.memory_space<hbm>>) target_semaphore(%run_scoped3A_103 : memref<!tpu.dma_semaphore, #tpu.memory_space<semaphore_mem>>)
      %dma_wait3A_114 = arith.constant 0 : i32
      %dma_wait3A_115 = tpu.memref_slice %arg6[%dma_wait3A_114] : memref<768xf32, #tpu.memory_space<vmem>> -> memref<128xf32, #tpu.memory_space<vmem>>
      %dma_wait3A_116 = arith.constant 0 : i32
      %dma_wait3A_117 = tpu.memref_slice %arg3[%add3A_81, %run_scoped3A, %select_n3A_97, %dma_wait3A_116] : memref<4x6x8x128xf32, #tpu.memory_space<hbm>> -> memref<1x1x1x128xf32, #tpu.memory_space<hbm>>
      %dma_wait3A_118 = tpu.memref_squeeze %dma_wait3A_117 : memref<1x1x1x128xf32, #tpu.memory_space<hbm>> -> memref<128xf32, #tpu.memory_space<hbm>>
      %dma_wait3A_119 = arith.constant 0 : i32
      %dma_wait3A_120 = tpu.memref_slice %arg3[%add3A_81, %run_scoped3A, %select_n3A_97, %dma_wait3A_119] : memref<4x6x8x128xf32, #tpu.memory_space<hbm>> -> memref<1x1x1x128xf32, #tpu.memory_space<hbm>>
      %dma_wait3A_121 = tpu.memref_squeeze %dma_wait3A_120 : memref<1x1x1x128xf32, #tpu.memory_space<hbm>> -> memref<128xf32, #tpu.memory_space<hbm>>
      %dma_wait3A_122 = arith.constant 0 : i32
      %dma_wait3A_123 = tpu.memref_slice %arg6[%dma_wait3A_122] : memref<768xf32, #tpu.memory_space<vmem>> -> memref<128xf32, #tpu.memory_space<vmem>>
      tpu.wait_dma2 semaphore(%run_scoped3A_103 : memref<!tpu.dma_semaphore, #tpu.memory_space<semaphore_mem>>) src(%dma_wait3A_123 : memref<128xf32, #tpu.memory_space<vmem>>) dst(%dma_wait3A_121 : memref<128xf32, #tpu.memory_space<hbm>>)
      tpu.yield
    }) : () -> ()
    %run_scoped3A_98 = arith.constant 1 : i32
    "tpu.region"() ({
      %run_scoped3A_103 = tpu.sem_alloc : memref<!tpu.dma_semaphore, #tpu.memory_space<semaphore_mem>>
      %dma_start3A_104 = arith.constant 128 : i32
      %dma_start3A_105 = tpu.memref_slice %arg6[%dma_start3A_104] : memref<768xf32, #tpu.memory_space<vmem>> -> memref<128xf32, #tpu.memory_space<vmem>>
      %dma_start3A_106 = arith.constant 0 : i32
      %dma_start3A_107 = tpu.memref_slice %arg3[%add3A_81, %run_scoped3A_98, %select_n3A_97, %dma_start3A_106] : memref<4x6x8x128xf32, #tpu.memory_space<hbm>> -> memref<1x1x1x128xf32, #tpu.memory_space<hbm>>
      %dma_start3A_108 = tpu.memref_squeeze %dma_start3A_107 : memref<1x1x1x128xf32, #tpu.memory_space<hbm>> -> memref<128xf32, #tpu.memory_space<hbm>>
      %dma_start3A_109 = arith.constant 0 : i32
      %dma_start3A_110 = tpu.memref_slice %arg3[%add3A_81, %run_scoped3A_98, %select_n3A_97, %dma_start3A_109] : memref<4x6x8x128xf32, #tpu.memory_space<hbm>> -> memref<1x1x1x128xf32, #tpu.memory_space<hbm>>
      %dma_start3A_111 = tpu.memref_squeeze %dma_start3A_110 : memref<1x1x1x128xf32, #tpu.memory_space<hbm>> -> memref<128xf32, #tpu.memory_space<hbm>>
      %dma_start3A_112 = arith.constant 128 : i32
      %dma_start3A_113 = tpu.memref_slice %arg6[%dma_start3A_112] : memref<768xf32, #tpu.memory_space<vmem>> -> memref<128xf32, #tpu.memory_space<vmem>>
      tpu.enqueue_dma source(%dma_start3A_113 : memref<128xf32, #tpu.memory_space<vmem>>) target(%dma_start3A_111 : memref<128xf32, #tpu.memory_space<hbm>>) target_semaphore(%run_scoped3A_103 : memref<!tpu.dma_semaphore, #tpu.memory_space<semaphore_mem>>)
      %dma_wait3A_114 = arith.constant 128 : i32
      %dma_wait3A_115 = tpu.memref_slice %arg6[%dma_wait3A_114] : memref<768xf32, #tpu.memory_space<vmem>> -> memref<128xf32, #tpu.memory_space<vmem>>
      %dma_wait3A_116 = arith.constant 0 : i32
      %dma_wait3A_117 = tpu.memref_slice %arg3[%add3A_81, %run_scoped3A_98, %select_n3A_97, %dma_wait3A_116] : memref<4x6x8x128xf32, #tpu.memory_space<hbm>> -> memref<1x1x1x128xf32, #tpu.memory_space<hbm>>
      %dma_wait3A_118 = tpu.memref_squeeze %dma_wait3A_117 : memref<1x1x1x128xf32, #tpu.memory_space<hbm>> -> memref<128xf32, #tpu.memory_space<hbm>>
      %dma_wait3A_119 = arith.constant 0 : i32
      %dma_wait3A_120 = tpu.memref_slice %arg3[%add3A_81, %run_scoped3A_98, %select_n3A_97, %dma_wait3A_119] : memref<4x6x8x128xf32, #tpu.memory_space<hbm>> -> memref<1x1x1x128xf32, #tpu.memory_space<hbm>>
      %dma_wait3A_121 = tpu.memref_squeeze %dma_wait3A_120 : memref<1x1x1x128xf32, #tpu.memory_space<hbm>> -> memref<128xf32, #tpu.memory_space<hbm>>
      %dma_wait3A_122 = arith.constant 128 : i32
      %dma_wait3A_123 = tpu.memref_slice %arg6[%dma_wait3A_122] : memref<768xf32, #tpu.memory_space<vmem>> -> memref<128xf32, #tpu.memory_space<vmem>>
      tpu.wait_dma2 semaphore(%run_scoped3A_103 : memref<!tpu.dma_semaphore, #tpu.memory_space<semaphore_mem>>) src(%dma_wait3A_123 : memref<128xf32, #tpu.memory_space<vmem>>) dst(%dma_wait3A_121 : memref<128xf32, #tpu.memory_space<hbm>>)
      tpu.yield
    }) : () -> ()
    %run_scoped3A_99 = arith.constant 2 : i32
    "tpu.region"() ({
      %run_scoped3A_103 = tpu.sem_alloc : memref<!tpu.dma_semaphore, #tpu.memory_space<semaphore_mem>>
      %dma_start3A_104 = arith.constant 256 : i32
      %dma_start3A_105 = tpu.memref_slice %arg6[%dma_start3A_104] : memref<768xf32, #tpu.memory_space<vmem>> -> memref<128xf32, #tpu.memory_space<vmem>>
      %dma_start3A_106 = arith.constant 0 : i32
      %dma_start3A_107 = tpu.memref_slice %arg3[%add3A_81, %run_scoped3A_99, %select_n3A_97, %dma_start3A_106] : memref<4x6x8x128xf32, #tpu.memory_space<hbm>> -> memref<1x1x1x128xf32, #tpu.memory_space<hbm>>
      %dma_start3A_108 = tpu.memref_squeeze %dma_start3A_107 : memref<1x1x1x128xf32, #tpu.memory_space<hbm>> -> memref<128xf32, #tpu.memory_space<hbm>>
      %dma_start3A_109 = arith.constant 0 : i32
      %dma_start3A_110 = tpu.memref_slice %arg3[%add3A_81, %run_scoped3A_99, %select_n3A_97, %dma_start3A_109] : memref<4x6x8x128xf32, #tpu.memory_space<hbm>> -> memref<1x1x1x128xf32, #tpu.memory_space<hbm>>
      %dma_start3A_111 = tpu.memref_squeeze %dma_start3A_110 : memref<1x1x1x128xf32, #tpu.memory_space<hbm>> -> memref<128xf32, #tpu.memory_space<hbm>>
      %dma_start3A_112 = arith.constant 256 : i32
      %dma_start3A_113 = tpu.memref_slice %arg6[%dma_start3A_112] : memref<768xf32, #tpu.memory_space<vmem>> -> memref<128xf32, #tpu.memory_space<vmem>>
      tpu.enqueue_dma source(%dma_start3A_113 : memref<128xf32, #tpu.memory_space<vmem>>) target(%dma_start3A_111 : memref<128xf32, #tpu.memory_space<hbm>>) target_semaphore(%run_scoped3A_103 : memref<!tpu.dma_semaphore, #tpu.memory_space<semaphore_mem>>)
      %dma_wait3A_114 = arith.constant 256 : i32
      %dma_wait3A_115 = tpu.memref_slice %arg6[%dma_wait3A_114] : memref<768xf32, #tpu.memory_space<vmem>> -> memref<128xf32, #tpu.memory_space<vmem>>
      %dma_wait3A_116 = arith.constant 0 : i32
      %dma_wait3A_117 = tpu.memref_slice %arg3[%add3A_81, %run_scoped3A_99, %select_n3A_97, %dma_wait3A_116] : memref<4x6x8x128xf32, #tpu.memory_space<hbm>> -> memref<1x1x1x128xf32, #tpu.memory_space<hbm>>
      %dma_wait3A_118 = tpu.memref_squeeze %dma_wait3A_117 : memref<1x1x1x128xf32, #tpu.memory_space<hbm>> -> memref<128xf32, #tpu.memory_space<hbm>>
      %dma_wait3A_119 = arith.constant 0 : i32
      %dma_wait3A_120 = tpu.memref_slice %arg3[%add3A_81, %run_scoped3A_99, %select_n3A_97, %dma_wait3A_119] : memref<4x6x8x128xf32, #tpu.memory_space<hbm>> -> memref<1x1x1x128xf32, #tpu.memory_space<hbm>>
      %dma_wait3A_121 = tpu.memref_squeeze %dma_wait3A_120 : memref<1x1x1x128xf32, #tpu.memory_space<hbm>> -> memref<128xf32, #tpu.memory_space<hbm>>
      %dma_wait3A_122 = arith.constant 256 : i32
      %dma_wait3A_123 = tpu.memref_slice %arg6[%dma_wait3A_122] : memref<768xf32, #tpu.memory_space<vmem>> -> memref<128xf32, #tpu.memory_space<vmem>>
      tpu.wait_dma2 semaphore(%run_scoped3A_103 : memref<!tpu.dma_semaphore, #tpu.memory_space<semaphore_mem>>) src(%dma_wait3A_123 : memref<128xf32, #tpu.memory_space<vmem>>) dst(%dma_wait3A_121 : memref<128xf32, #tpu.memory_space<hbm>>)
      tpu.yield
    }) : () -> ()
    %run_scoped3A_100 = arith.constant 3 : i32
    "tpu.region"() ({
      %run_scoped3A_103 = tpu.sem_alloc : memref<!tpu.dma_semaphore, #tpu.memory_space<semaphore_mem>>
      %dma_start3A_104 = arith.constant 384 : i32
      %dma_start3A_105 = tpu.memref_slice %arg6[%dma_start3A_104] : memref<768xf32, #tpu.memory_space<vmem>> -> memref<128xf32, #tpu.memory_space<vmem>>
      %dma_start3A_106 = arith.constant 0 : i32
      %dma_start3A_107 = tpu.memref_slice %arg3[%add3A_81, %run_scoped3A_100, %select_n3A_97, %dma_start3A_106] : memref<4x6x8x128xf32, #tpu.memory_space<hbm>> -> memref<1x1x1x128xf32, #tpu.memory_space<hbm>>
      %dma_start3A_108 = tpu.memref_squeeze %dma_start3A_107 : memref<1x1x1x128xf32, #tpu.memory_space<hbm>> -> memref<128xf32, #tpu.memory_space<hbm>>
      %dma_start3A_109 = arith.constant 0 : i32
      %dma_start3A_110 = tpu.memref_slice %arg3[%add3A_81, %run_scoped3A_100, %select_n3A_97, %dma_start3A_109] : memref<4x6x8x128xf32, #tpu.memory_space<hbm>> -> memref<1x1x1x128xf32, #tpu.memory_space<hbm>>
      %dma_start3A_111 = tpu.memref_squeeze %dma_start3A_110 : memref<1x1x1x128xf32, #tpu.memory_space<hbm>> -> memref<128xf32, #tpu.memory_space<hbm>>
      %dma_start3A_112 = arith.constant 384 : i32
      %dma_start3A_113 = tpu.memref_slice %arg6[%dma_start3A_112] : memref<768xf32, #tpu.memory_space<vmem>> -> memref<128xf32, #tpu.memory_space<vmem>>
      tpu.enqueue_dma source(%dma_start3A_113 : memref<128xf32, #tpu.memory_space<vmem>>) target(%dma_start3A_111 : memref<128xf32, #tpu.memory_space<hbm>>) target_semaphore(%run_scoped3A_103 : memref<!tpu.dma_semaphore, #tpu.memory_space<semaphore_mem>>)
      %dma_wait3A_114 = arith.constant 384 : i32
      %dma_wait3A_115 = tpu.memref_slice %arg6[%dma_wait3A_114] : memref<768xf32, #tpu.memory_space<vmem>> -> memref<128xf32, #tpu.memory_space<vmem>>
      %dma_wait3A_116 = arith.constant 0 : i32
      %dma_wait3A_117 = tpu.memref_slice %arg3[%add3A_81, %run_scoped3A_100, %select_n3A_97, %dma_wait3A_116] : memref<4x6x8x128xf32, #tpu.memory_space<hbm>> -> memref<1x1x1x128xf32, #tpu.memory_space<hbm>>
      %dma_wait3A_118 = tpu.memref_squeeze %dma_wait3A_117 : memref<1x1x1x128xf32, #tpu.memory_space<hbm>> -> memref<128xf32, #tpu.memory_space<hbm>>
      %dma_wait3A_119 = arith.constant 0 : i32
      %dma_wait3A_120 = tpu.memref_slice %arg3[%add3A_81, %run_scoped3A_100, %select_n3A_97, %dma_wait3A_119] : memref<4x6x8x128xf32, #tpu.memory_space<hbm>> -> memref<1x1x1x128xf32, #tpu.memory_space<hbm>>
      %dma_wait3A_121 = tpu.memref_squeeze %dma_wait3A_120 : memref<1x1x1x128xf32, #tpu.memory_space<hbm>> -> memref<128xf32, #tpu.memory_space<hbm>>
      %dma_wait3A_122 = arith.constant 384 : i32
      %dma_wait3A_123 = tpu.memref_slice %arg6[%dma_wait3A_122] : memref<768xf32, #tpu.memory_space<vmem>> -> memref<128xf32, #tpu.memory_space<vmem>>
      tpu.wait_dma2 semaphore(%run_scoped3A_103 : memref<!tpu.dma_semaphore, #tpu.memory_space<semaphore_mem>>) src(%dma_wait3A_123 : memref<128xf32, #tpu.memory_space<vmem>>) dst(%dma_wait3A_121 : memref<128xf32, #tpu.memory_space<hbm>>)
      tpu.yield
    }) : () -> ()
    %run_scoped3A_101 = arith.constant 4 : i32
    "tpu.region"() ({
      %run_scoped3A_103 = tpu.sem_alloc : memref<!tpu.dma_semaphore, #tpu.memory_space<semaphore_mem>>
      %dma_start3A_104 = arith.constant 512 : i32
      %dma_start3A_105 = tpu.memref_slice %arg6[%dma_start3A_104] : memref<768xf32, #tpu.memory_space<vmem>> -> memref<128xf32, #tpu.memory_space<vmem>>
      %dma_start3A_106 = arith.constant 0 : i32
      %dma_start3A_107 = tpu.memref_slice %arg3[%add3A_81, %run_scoped3A_101, %select_n3A_97, %dma_start3A_106] : memref<4x6x8x128xf32, #tpu.memory_space<hbm>> -> memref<1x1x1x128xf32, #tpu.memory_space<hbm>>
      %dma_start3A_108 = tpu.memref_squeeze %dma_start3A_107 : memref<1x1x1x128xf32, #tpu.memory_space<hbm>> -> memref<128xf32, #tpu.memory_space<hbm>>
      %dma_start3A_109 = arith.constant 0 : i32
      %dma_start3A_110 = tpu.memref_slice %arg3[%add3A_81, %run_scoped3A_101, %select_n3A_97, %dma_start3A_109] : memref<4x6x8x128xf32, #tpu.memory_space<hbm>> -> memref<1x1x1x128xf32, #tpu.memory_space<hbm>>
      %dma_start3A_111 = tpu.memref_squeeze %dma_start3A_110 : memref<1x1x1x128xf32, #tpu.memory_space<hbm>> -> memref<128xf32, #tpu.memory_space<hbm>>
      %dma_start3A_112 = arith.constant 512 : i32
      %dma_start3A_113 = tpu.memref_slice %arg6[%dma_start3A_112] : memref<768xf32, #tpu.memory_space<vmem>> -> memref<128xf32, #tpu.memory_space<vmem>>
      tpu.enqueue_dma source(%dma_start3A_113 : memref<128xf32, #tpu.memory_space<vmem>>) target(%dma_start3A_111 : memref<128xf32, #tpu.memory_space<hbm>>) target_semaphore(%run_scoped3A_103 : memref<!tpu.dma_semaphore, #tpu.memory_space<semaphore_mem>>)
      %dma_wait3A_114 = arith.constant 512 : i32
      %dma_wait3A_115 = tpu.memref_slice %arg6[%dma_wait3A_114] : memref<768xf32, #tpu.memory_space<vmem>> -> memref<128xf32, #tpu.memory_space<vmem>>
      %dma_wait3A_116 = arith.constant 0 : i32
      %dma_wait3A_117 = tpu.memref_slice %arg3[%add3A_81, %run_scoped3A_101, %select_n3A_97, %dma_wait3A_116] : memref<4x6x8x128xf32, #tpu.memory_space<hbm>> -> memref<1x1x1x128xf32, #tpu.memory_space<hbm>>
      %dma_wait3A_118 = tpu.memref_squeeze %dma_wait3A_117 : memref<1x1x1x128xf32, #tpu.memory_space<hbm>> -> memref<128xf32, #tpu.memory_space<hbm>>
      %dma_wait3A_119 = arith.constant 0 : i32
      %dma_wait3A_120 = tpu.memref_slice %arg3[%add3A_81, %run_scoped3A_101, %select_n3A_97, %dma_wait3A_119] : memref<4x6x8x128xf32, #tpu.memory_space<hbm>> -> memref<1x1x1x128xf32, #tpu.memory_space<hbm>>
      %dma_wait3A_121 = tpu.memref_squeeze %dma_wait3A_120 : memref<1x1x1x128xf32, #tpu.memory_space<hbm>> -> memref<128xf32, #tpu.memory_space<hbm>>
      %dma_wait3A_122 = arith.constant 512 : i32
      %dma_wait3A_123 = tpu.memref_slice %arg6[%dma_wait3A_122] : memref<768xf32, #tpu.memory_space<vmem>> -> memref<128xf32, #tpu.memory_space<vmem>>
      tpu.wait_dma2 semaphore(%run_scoped3A_103 : memref<!tpu.dma_semaphore, #tpu.memory_space<semaphore_mem>>) src(%dma_wait3A_123 : memref<128xf32, #tpu.memory_space<vmem>>) dst(%dma_wait3A_121 : memref<128xf32, #tpu.memory_space<hbm>>)
      tpu.yield
    }) : () -> ()
    %run_scoped3A_102 = arith.constant 5 : i32
    "tpu.region"() ({
      %run_scoped3A_103 = tpu.sem_alloc : memref<!tpu.dma_semaphore, #tpu.memory_space<semaphore_mem>>
      %dma_start3A_104 = arith.constant 640 : i32
      %dma_start3A_105 = tpu.memref_slice %arg6[%dma_start3A_104] : memref<768xf32, #tpu.memory_space<vmem>> -> memref<128xf32, #tpu.memory_space<vmem>>
      %dma_start3A_106 = arith.constant 0 : i32
      %dma_start3A_107 = tpu.memref_slice %arg3[%add3A_81, %run_scoped3A_102, %select_n3A_97, %dma_start3A_106] : memref<4x6x8x128xf32, #tpu.memory_space<hbm>> -> memref<1x1x1x128xf32, #tpu.memory_space<hbm>>
      %dma_start3A_108 = tpu.memref_squeeze %dma_start3A_107 : memref<1x1x1x128xf32, #tpu.memory_space<hbm>> -> memref<128xf32, #tpu.memory_space<hbm>>
      %dma_start3A_109 = arith.constant 0 : i32
      %dma_start3A_110 = tpu.memref_slice %arg3[%add3A_81, %run_scoped3A_102, %select_n3A_97, %dma_start3A_109] : memref<4x6x8x128xf32, #tpu.memory_space<hbm>> -> memref<1x1x1x128xf32, #tpu.memory_space<hbm>>
      %dma_start3A_111 = tpu.memref_squeeze %dma_start3A_110 : memref<1x1x1x128xf32, #tpu.memory_space<hbm>> -> memref<128xf32, #tpu.memory_space<hbm>>
      %dma_start3A_112 = arith.constant 640 : i32
      %dma_start3A_113 = tpu.memref_slice %arg6[%dma_start3A_112] : memref<768xf32, #tpu.memory_space<vmem>> -> memref<128xf32, #tpu.memory_space<vmem>>
      tpu.enqueue_dma source(%dma_start3A_113 : memref<128xf32, #tpu.memory_space<vmem>>) target(%dma_start3A_111 : memref<128xf32, #tpu.memory_space<hbm>>) target_semaphore(%run_scoped3A_103 : memref<!tpu.dma_semaphore, #tpu.memory_space<semaphore_mem>>)
      %dma_wait3A_114 = arith.constant 640 : i32
      %dma_wait3A_115 = tpu.memref_slice %arg6[%dma_wait3A_114] : memref<768xf32, #tpu.memory_space<vmem>> -> memref<128xf32, #tpu.memory_space<vmem>>
      %dma_wait3A_116 = arith.constant 0 : i32
      %dma_wait3A_117 = tpu.memref_slice %arg3[%add3A_81, %run_scoped3A_102, %select_n3A_97, %dma_wait3A_116] : memref<4x6x8x128xf32, #tpu.memory_space<hbm>> -> memref<1x1x1x128xf32, #tpu.memory_space<hbm>>
      %dma_wait3A_118 = tpu.memref_squeeze %dma_wait3A_117 : memref<1x1x1x128xf32, #tpu.memory_space<hbm>> -> memref<128xf32, #tpu.memory_space<hbm>>
      %dma_wait3A_119 = arith.constant 0 : i32
      %dma_wait3A_120 = tpu.memref_slice %arg3[%add3A_81, %run_scoped3A_102, %select_n3A_97, %dma_wait3A_119] : memref<4x6x8x128xf32, #tpu.memory_space<hbm>> -> memref<1x1x1x128xf32, #tpu.memory_space<hbm>>
      %dma_wait3A_121 = tpu.memref_squeeze %dma_wait3A_120 : memref<1x1x1x128xf32, #tpu.memory_space<hbm>> -> memref<128xf32, #tpu.memory_space<hbm>>
      %dma_wait3A_122 = arith.constant 640 : i32
      %dma_wait3A_123 = tpu.memref_slice %arg6[%dma_wait3A_122] : memref<768xf32, #tpu.memory_space<vmem>> -> memref<128xf32, #tpu.memory_space<vmem>>
      tpu.wait_dma2 semaphore(%run_scoped3A_103 : memref<!tpu.dma_semaphore, #tpu.memory_space<semaphore_mem>>) src(%dma_wait3A_123 : memref<128xf32, #tpu.memory_space<vmem>>) dst(%dma_wait3A_121 : memref<128xf32, #tpu.memory_space<hbm>>)
      tpu.yield
    }) : () -> ()
    return
  }
}

module attributes {stable_mosaic.version = 14 : i64} {
  func.func @_router_kernel(%arg0: memref<48x768xf32, #tpu.memory_space<vmem>>, %arg1: memref<32x768xf32, #tpu.memory_space<vmem>>, %arg2: memref<768x192xf32, #tpu.memory_space<vmem>>, %arg3: memref<1x192xf32, #tpu.memory_space<vmem>>, %arg4: memref<192x8xf32, #tpu.memory_space<vmem>>, %arg5: memref<1x8xf32, #tpu.memory_space<vmem>>, %arg6: memref<64x2xi32, #tpu.memory_space<vmem>>, %arg7: memref<64x2xf32, #tpu.memory_space<vmem>>) attributes {dimension_semantics = [], scalar_prefetch = 0 : i64, scratch_operands = 0 : i64, tpu.core_type = #tpu.core_type<tc>} {
    %get3A = arith.constant 0 : index
    %get3A_0 = arith.constant 0 : index
    %get3A_1 = vector.load %arg1[%get3A, %get3A_0] : memref<32x768xf32, #tpu.memory_space<vmem>>, vector<16x768xf32>
    %get3A_2 = arith.constant 16 : index
    %get3A_3 = arith.constant 0 : index
    %get3A_4 = vector.load %arg1[%get3A_2, %get3A_3] : memref<32x768xf32, #tpu.memory_space<vmem>>, vector<16x768xf32>
    %add3A = arith.addf %get3A_1, %get3A_4 : vector<16x768xf32>
    %mul3A = arith.constant 0.00173611112 : f32
    %mul3A_5 = vector.broadcast %mul3A : f32 to vector<16x768xf32>
    %mul3A_6 = arith.mulf %add3A, %mul3A_5 : vector<16x768xf32>
    %get3A_7 = arith.constant 0 : index
    %get3A_8 = arith.constant 0 : index
    %get3A_9 = vector.load %arg0[%get3A_7, %get3A_8] : memref<48x768xf32, #tpu.memory_space<vmem>>, vector<48x768xf32>
    %concatenate3A = tpu.concatenate %get3A_9, %mul3A_6 in 0 : vector<48x768xf32>, vector<16x768xf32> -> vector<64x768xf32>
    %get3A_10 = arith.constant 0 : index
    %get3A_11 = arith.constant 0 : index
    %get3A_12 = vector.load %arg2[%get3A_10, %get3A_11] : memref<768x192xf32, #tpu.memory_space<vmem>>, vector<768x192xf32>
    %dot_general3A = arith.constant dense<0.000000e+00> : vector<64x192xf32>
    %dot_general3A_13 = tpu.matmul %concatenate3A, %get3A_12, %dot_general3A {dimension_numbers = #tpu.dot_dimension_numbers<[1], [0], [0], [1], [0, 0, 1, 1], [], []>, transpose_lhs_hint = false} : vector<64x768xf32>, vector<768x192xf32>, vector<64x192xf32> -> vector<64x192xf32>
    %get3A_14 = arith.constant 0 : index
    %get3A_15 = arith.constant 0 : index
    %get3A_16 = vector.load %arg3[%get3A_14, %get3A_15] : memref<1x192xf32, #tpu.memory_space<vmem>>, vector<1x192xf32>
    %get3A_17 = vector.shape_cast %get3A_16 : vector<1x192xf32> to vector<192xf32>
    %broadcast_in_dim3A = vector.shape_cast %get3A_17 : vector<192xf32> to vector<1x192xf32>
    %add3A_18 = vector.broadcast %broadcast_in_dim3A : vector<1x192xf32> to vector<64x192xf32>
    %add3A_19 = arith.addf %dot_general3A_13, %add3A_18 : vector<64x192xf32>
    %mul3A_20 = arith.constant 5.000000e-01 : f32
    %mul3A_21 = vector.broadcast %mul3A_20 : f32 to vector<64x192xf32>
    %mul3A_22 = arith.mulf %mul3A_21, %add3A_19 : vector<64x192xf32>
    %mul3A_23 = arith.constant 0.707106769 : f32
    %mul3A_24 = vector.broadcast %mul3A_23 : f32 to vector<64x192xf32>
    %mul3A_25 = arith.mulf %add3A_19, %mul3A_24 : vector<64x192xf32>
    %erf3A = math.erf %mul3A_25 : vector<64x192xf32>
    %add3A_26 = arith.constant 1.000000e+00 : f32
    %add3A_27 = vector.broadcast %add3A_26 : f32 to vector<64x192xf32>
    %add3A_28 = arith.addf %add3A_27, %erf3A : vector<64x192xf32>
    %mul3A_29 = arith.mulf %mul3A_22, %add3A_28 : vector<64x192xf32>
    %get3A_30 = arith.constant 0 : index
    %get3A_31 = arith.constant 0 : index
    %get3A_32 = vector.load %arg4[%get3A_30, %get3A_31] : memref<192x8xf32, #tpu.memory_space<vmem>>, vector<192x8xf32>
    %dot_general3A_33 = arith.constant dense<0.000000e+00> : vector<64x8xf32>
    %dot_general3A_34 = tpu.matmul %mul3A_29, %get3A_32, %dot_general3A_33 {dimension_numbers = #tpu.dot_dimension_numbers<[1], [0], [0], [1], [0, 0, 1, 1], [], []>, transpose_lhs_hint = false} : vector<64x192xf32>, vector<192x8xf32>, vector<64x8xf32> -> vector<64x8xf32>
    %get3A_35 = arith.constant 0 : index
    %get3A_36 = arith.constant 0 : index
    %get3A_37 = vector.load %arg5[%get3A_35, %get3A_36] : memref<1x8xf32, #tpu.memory_space<vmem>>, vector<1x8xf32>
    %get3A_38 = vector.shape_cast %get3A_37 : vector<1x8xf32> to vector<8xf32>
    %broadcast_in_dim3A_39 = vector.shape_cast %get3A_38 : vector<8xf32> to vector<1x8xf32>
    %add3A_40 = vector.broadcast %broadcast_in_dim3A_39 : vector<1x8xf32> to vector<64x8xf32>
    %add3A_41 = arith.addf %dot_general3A_34, %add3A_40 : vector<64x8xf32>
    %iota3A = tpu.iota {dimensions = array<i32: 1>} : vector<64x8xi32>
    %reduce_max3A = arith.constant dense<0xFF800000> : vector<64xf32>
    %reduce_max3A_42 = vector.multi_reduction <maximumf>, %add3A_41, %reduce_max3A [1] : vector<64x8xf32> to vector<64xf32>
    %broadcast_in_dim3A_43 = vector.shape_cast %reduce_max3A_42 : vector<64xf32> to vector<64x1xf32>
    %eq3A = vector.broadcast %broadcast_in_dim3A_43 : vector<64x1xf32> to vector<64x8xf32>
    %eq3A_44 = arith.cmpf oeq, %add3A_41, %eq3A : vector<64x8xf32>
    %jit3A = arith.constant 8 : i32
    %broadcast_in_dim3A_45 = vector.broadcast %jit3A : i32 to vector<64x8xi32>
    %select_n3A = arith.select %eq3A_44, %iota3A, %broadcast_in_dim3A_45 : vector<64x8xi1>, vector<64x8xi32>
    %reduce_min3A = arith.constant dense<2147483647> : vector<64xi32>
    %reduce_min3A_46 = vector.multi_reduction <minsi>, %select_n3A, %reduce_min3A [1] : vector<64x8xi32> to vector<64xi32>
    %broadcast_in_dim3A_47 = vector.shape_cast %reduce_min3A_46 : vector<64xi32> to vector<64x1xi32>
    %eq3A_48 = vector.broadcast %broadcast_in_dim3A_47 : vector<64x1xi32> to vector<64x8xi32>
    %eq3A_49 = arith.cmpi eq, %iota3A, %eq3A_48 : vector<64x8xi32>
    %jit3A_50 = arith.constant 0xFF800000 : f32
    %broadcast_in_dim3A_51 = vector.broadcast %jit3A_50 : f32 to vector<64x8xf32>
    %select_n3A_52 = arith.select %eq3A_49, %broadcast_in_dim3A_51, %add3A_41 : vector<64x8xi1>, vector<64x8xf32>
    %reduce_max3A_53 = arith.constant dense<0xFF800000> : vector<64xf32>
    %reduce_max3A_54 = vector.multi_reduction <maximumf>, %select_n3A_52, %reduce_max3A_53 [1] : vector<64x8xf32> to vector<64xf32>
    %broadcast_in_dim3A_55 = vector.shape_cast %reduce_max3A_54 : vector<64xf32> to vector<64x1xf32>
    %eq3A_56 = vector.broadcast %broadcast_in_dim3A_55 : vector<64x1xf32> to vector<64x8xf32>
    %eq3A_57 = arith.cmpf oeq, %select_n3A_52, %eq3A_56 : vector<64x8xf32>
    %jit3A_58 = arith.constant 8 : i32
    %broadcast_in_dim3A_59 = vector.broadcast %jit3A_58 : i32 to vector<64x8xi32>
    %select_n3A_60 = arith.select %eq3A_57, %iota3A, %broadcast_in_dim3A_59 : vector<64x8xi1>, vector<64x8xi32>
    %reduce_min3A_61 = arith.constant dense<2147483647> : vector<64xi32>
    %reduce_min3A_62 = vector.multi_reduction <minsi>, %select_n3A_60, %reduce_min3A_61 [1] : vector<64x8xi32> to vector<64xi32>
    %broadcast_in_dim3A_63 = vector.shape_cast %reduce_min3A_62 : vector<64xi32> to vector<64x1xi32>
    %sub3A = arith.subf %broadcast_in_dim3A_55, %broadcast_in_dim3A_43 : vector<64x1xf32>
    %exp3A = math.exp %sub3A : vector<64x1xf32>
    %add3A_64 = arith.constant 1.000000e+00 : f32
    %add3A_65 = vector.broadcast %add3A_64 : f32 to vector<64x1xf32>
    %add3A_66 = arith.addf %add3A_65, %exp3A : vector<64x1xf32>
    %concatenate3A_67 = tpu.concatenate %broadcast_in_dim3A_47, %broadcast_in_dim3A_63 in 1 : vector<64x1xi32>, vector<64x1xi32> -> vector<64x2xi32>
    %swap3A = arith.constant 0 : index
    %swap3A_68 = arith.constant 0 : index
    %swap3A_69 = vector.load %arg6[%swap3A, %swap3A_68] : memref<64x2xi32, #tpu.memory_space<vmem>>, vector<64x2xi32>
    tpu.vector_store %arg6[%swap3A, %swap3A_68], %concatenate3A_67 {strides = array<i32>} : memref<64x2xi32, #tpu.memory_space<vmem>>, vector<64x2xi32>,
    %div3A = arith.constant 1.000000e+00 : f32
    %div3A_70 = vector.broadcast %div3A : f32 to vector<64x1xf32>
    %div3A_71 = arith.divf %div3A_70, %add3A_66 : vector<64x1xf32>
    %div3A_72 = arith.divf %exp3A, %add3A_66 : vector<64x1xf32>
    %concatenate3A_73 = tpu.concatenate %div3A_71, %div3A_72 in 1 : vector<64x1xf32>, vector<64x1xf32> -> vector<64x2xf32>
    %swap3A_74 = arith.constant 0 : index
    %swap3A_75 = arith.constant 0 : index
    %swap3A_76 = vector.load %arg7[%swap3A_74, %swap3A_75] : memref<64x2xf32, #tpu.memory_space<vmem>>, vector<64x2xf32>
    tpu.vector_store %arg7[%swap3A_74, %swap3A_75], %concatenate3A_73 {strides = array<i32>} : memref<64x2xf32, #tpu.memory_space<vmem>>, vector<64x2xf32>,
    return
  }
}

module attributes {stable_mosaic.version = 14 : i64} {
  func.func @_tc_pool_kernel(%arg0: i32, %arg1: memref<8x576x768xf32, #tpu.memory_space<vmem>>, %arg2: memref<8x768xf32, #tpu.memory_space<vmem>>) attributes {dimension_semantics = [#tpu.dimension_semantics<arbitrary>], iteration_bounds = array<i64: 6>, scalar_prefetch = 0 : i64, scratch_operands = 0 : i64, tpu.core_type = #tpu.core_type<tc>, window_params = [{transform_indices = @transform_0, window_bounds = array<i64: 8, 576, 768>}, {transform_indices = @transform_1, window_bounds = array<i64: 8, 768>}]} {
    %get3A = arith.constant 0 : index
    %get3A_0 = arith.constant 0 : index
    %get3A_1 = arith.constant 0 : index
    %get3A_2 = vector.load %arg1[%get3A, %get3A_0, %get3A_1] : memref<8x576x768xf32, #tpu.memory_space<vmem>>, vector<8x576x768xf32>
    %reduce_sum3A = arith.constant dense<0.000000e+00> : vector<8x768xf32>
    %reduce_sum3A_3 = vector.multi_reduction <add>, %get3A_2, %reduce_sum3A [1] : vector<8x576x768xf32> to vector<8x768xf32>
    %mul3A = arith.constant 0.00173611112 : f32
    %mul3A_4 = vector.broadcast %mul3A : f32 to vector<8x768xf32>
    %mul3A_5 = arith.mulf %reduce_sum3A_3, %mul3A_4 : vector<8x768xf32>
    %swap3A = arith.constant 0 : index
    %swap3A_6 = arith.constant 0 : index
    %swap3A_7 = vector.load %arg2[%swap3A, %swap3A_6] : memref<8x768xf32, #tpu.memory_space<vmem>>, vector<8x768xf32>
    tpu.vector_store %arg2[%swap3A, %swap3A_6], %mul3A_5 {strides = array<i32>} : memref<8x768xf32, #tpu.memory_space<vmem>>, vector<8x768xf32>,
    return
  }
  func.func @transform_0(%arg0: i32) -> (i32, i32, i32) {
    %c0_i32 = arith.constant 0 : i32
    %c0_i32_0 = arith.constant 0 : i32
    %c0_i32_1 = arith.constant 0 : i32
    return %arg0, %c0_i32, %c0_i32_0 : i32, i32, i32
  }
  func.func @transform_1(%arg0: i32) -> (i32, i32) {
    %c0_i32 = arith.constant 0 : i32
    %c0_i32_0 = arith.constant 0 : i32
    return %arg0, %c0_i32 : i32, i32
  }
}

</mosaic_0001>

<sc_bundles>
// kernel: kernel.5.cloned.1.call-start
scs
__scs_entry_jumppad:
0x0: {  	(pc) =	sbr.rel $0x88, $3  }
0x1: {  	(tag) =	ssettag $0x0;
	lr =	simm.s32 $0x1  }
0x2: {  	[smem:$0x3F9C] =	sst lr;
	_ =	strace $0xD0000000  }
0x3: {  	_ = 	snop  }
0x4: {  	_ = 	snop  }
0x5: {  	_ = 	snop  }
0x6: {  	_ = 	snop  }
0x7: {  	_ = 	snop  }
__scs_overlays_trampoline_lowered:
0x8: {  	[smem:$0x3FAB] =	sst s0  }
0x9: {  	[smem:$0x3FAC] =	sst s1  }
0xa: {  	[smem:$0x3FAD] =	sst s2  }
0xb: {  	[smem:$0x3FAE] =	sst s3  }
0xc: {  	[smem:$0x3FAF] =	sst s4  }
0xd: {  	[smem:$0x3FB0] =	sst s5  }
0xe: {  	[smem:$0x3FB1] =	sst s6  }
0xf: {  	[smem:$0x3FB2] =	sst s7  }
0x10: {  	[smem:$0x3FB3] =	sst s8  }
0x11: {  	[smem:$0x3FB4] =	sst s9;
	s0 =	simm.s32 @!p0 $0x0  }
0x12: {  	s1 =	sld [smem:$0x3F9A];
	s0 =	simm.s32 @p0 $0x1  }
0x13: {  	[smem:$0x3FB5] =	sst s0;
	s0 =	simm.s32 @!p1 $0x0  }
0x14: {  	s2 =	sld [smem:$0x3F99];
	s0 =	simm.s32 @p1 $0x1  }
0x15: {  	[smem:$0x3FB6] =	sst s0;
	s0 =	simm.s32 @!p2 $0x0  }
0x16: {  	s3 =	sld [smem:$0x3FDB];
	s0 =	simm.s32 @p2 $0x1  }
0x17: {  	s4 =	simm.s32 $0x1BF5;
	[smem:$0x3FB8] =	sst s0  }
0x18: {  	s0 =	sld [smem:$0x3F9B];
	_ =	swait.ge [sflag:s4], $0x0  }
0x19: {  	s7 =	sld [smem:$0x3F9C]  }
0x1a: {  	s8 =	sadd.s32 $0xFFFFE003, lr  }
0x1b: {  	s9 =	sadd.s32 $0xFFFFFEF7, lr;
	s5 =	simm.s32 $0xFFFFFFFF;
	p2 =	slt.u32 s8, $0xFFFFF086  }
0x1c: {  	p1 =	slt.u32 s9, $0xF7A;
	s5 =	simm.s32 @!p2 $0x0  }
0x1d: {  	s5 =	simm.s32 @p1 $0x1;
	p0 =	seq.s32 s7, s2  }
0x1e: {  	s7 =	smul.u32 @!p0 $0xF7A, s2;
	p2 =	seq.s32 @!p0 s5, $0x0  }
0x1f: {  	s9 =	smul.u32 $0xF7A, s1;
	s8 =	simm.s32 @!p0 $0x1BF5;
	p2 =	por !p2, p0  }
0x20: {  	[sflag:s8] =	ssyncset.s32 @!p0 $0xFFFFF086;
	s6 =	sadd.s32 @!p0 s3, s7;
	s7 =	simm.s32 @!p0 $0x108  }
0x21: {  	s3 =	sadd.s32 s3, s9;
	s6 =	sadd.s32 @!p0 $0x88, s6;
	s7 =	simm.s32 @p2 $0x1082  }
0x22: {  	[simem:s7], [sflag:s8] =	dma.local @!p0 [hbm:s6], $0xF7A  }
0x23: {  	s9 =	sor.u32 $0xD0000000, s2;
	s6 =	simm.s32 $0x108;
	_ =	swait.ge @!p0 [sflag:s8], $0x0  }
0x24: {  	s3 =	sadd.s32 $0x88, s3;
	s6 =	simm.s32 @!p1 $0x1082;
	[sflag:s4] =	ssyncset.s32 $0xFFFFF086  }
0x25: {  	[simem:s6], [sflag:s4] =	dma.local [hbm:s3], $0xF7A  }
0x26: {  	[smem:$0x3F9C] =	sst s1;
	(tag) =	ssettag s2;
	_ =	strace s9  }
0x27: {  	s1 =	sld [smem:$0x3FAC]  }
0x28: {  	s2 =	sld [smem:$0x3FAD]  }
0x29: {  	s4 =	sld [smem:$0x3FAF]  }
0x2a: {  	p0 =	seq.s32 s5, $0x0;
	s5 =	sld [smem:$0x3FB0]  }
0x2b: {  	s6 =	sld [smem:$0x3FB1]  }
0x2c: {  	s7 =	sld [smem:$0x3FB2]  }
0x2d: {  	s3 =	simm.s32 $0x108;
	s8 =	sld [smem:$0x3FB3]  }
0x2e: {  	s3 =	simm.s32 @!p0 $0x1082;
	s9 =	sld [smem:$0x3FB4]  }
0x2f: {  	lr =	sadd.s32 s0, s3;
	s0 =	sld [smem:$0x3FAB]  }
0x30: {  	s3 =	sld [smem:$0x3FAE]  }
0x31: {  	[smem:$0x3FB7] =	sst s10  }
0x32: {  	s10 =	sld [smem:$0x3FB5];
	_ =	sdelay $0x3  }
0x33: {  	p0 =	seq.s32 s10, $0x1;
	s10 =	sld [smem:$0x3FB7];
	_ =	sdelay $0x3  }
0x34: {  	[smem:$0x3FB7] =	sst s10  }
0x35: {  	s10 =	sld [smem:$0x3FB6];
	_ =	sdelay $0x3  }
0x36: {  	p1 =	seq.s32 s10, $0x1;
	s10 =	sld [smem:$0x3FB7];
	_ =	sdelay $0x3  }
0x37: {  	[smem:$0x3FB7] =	sst s10  }
0x38: {  	s10 =	sld [smem:$0x3FB8]  }
0x39: {  	_ = 	snop;
	(pc) =	sbr.ind lr, $3  }
0x3a: {  	_ = 	snop  }
0x3b: {  	_ = 	snop  }
0x3c: {  	p2 =	seq.s32 s10, $0x1;
	s10 =	sld [smem:$0x3FB7]  }
0x3d: {  	_ =	shalt  }
0x3e: {  	_ =	shalt  }
0x3f: {  	_ =	shalt  }
0x40: {  	_ =	shalt  }
0x41: {  	_ =	shalt  }
0x42: {  	_ =	shalt  }
0x43: {  	_ =	shalt  }
0x44: {  	_ =	shalt  }
0x45: {  	_ =	shalt  }
0x46: {  	_ =	shalt  }
0x47: {  	_ =	shalt  }
0x48: {  	_ =	shalt  }
0x49: {  	_ =	shalt  }
0x4a: {  	_ =	shalt  }
0x4b: {  	_ =	shalt  }
0x4c: {  	_ =	shalt  }
0x4d: {  	_ =	shalt  }
0x4e: {  	_ =	shalt  }
0x4f: {  	_ =	shalt  }
0x50: {  	_ =	shalt  }
0x51: {  	_ =	shalt  }
0x52: {  	_ =	shalt  }
0x53: {  	_ =	shalt  }
0x54: {  	_ =	shalt  }
0x55: {  	_ =	shalt  }
0x56: {  	_ =	shalt  }
0x57: {  	_ =	shalt  }
0x58: {  	_ =	shalt  }
0x59: {  	_ =	shalt  }
0x5a: {  	_ =	shalt  }
0x5b: {  	_ =	shalt  }
0x5c: {  	_ =	shalt  }
0x5d: {  	_ =	shalt  }
0x5e: {  	_ =	shalt  }
0x5f: {  	_ =	shalt  }
0x60: {  	_ =	shalt  }
0x61: {  	_ =	shalt  }
0x62: {  	_ =	shalt  }
0x63: {  	_ =	shalt  }
0x64: {  	_ =	shalt  }
0x65: {  	_ =	shalt  }
0x66: {  	_ =	shalt  }
0x67: {  	_ =	shalt  }
0x68: {  	_ =	shalt  }
0x69: {  	_ =	shalt  }
0x6a: {  	_ =	shalt  }
0x6b: {  	_ =	shalt  }
0x6c: {  	_ =	shalt  }
0x6d: {  	_ =	shalt  }
0x6e: {  	_ =	shalt  }
0x6f: {  	_ =	shalt  }
0x70: {  	_ =	shalt  }
0x71: {  	_ =	shalt  }
0x72: {  	_ =	shalt  }
0x73: {  	_ =	shalt  }
0x74: {  	_ =	shalt  }
0x75: {  	_ =	shalt  }
0x76: {  	_ =	shalt  }
0x77: {  	_ =	shalt  }
0x78: {  	_ =	shalt  }
0x79: {  	_ =	shalt  }
0x7a: {  	_ =	shalt  }
0x7b: {  	_ =	shalt  }
0x7c: {  	_ =	shalt  }
0x7d: {  	_ =	shalt  }
0x7e: {  	_ =	shalt  }
0x7f: {  	_ =	shalt  }
0x80: {  	_ =	shalt  }
0x81: {  	_ =	shalt  }
0x82: {  	_ =	shalt  }
0x83: {  	_ =	shalt  }
0x84: {  	_ =	shalt  }
0x85: {  	_ =	shalt  }
0x86: {  	_ =	shalt  }
0x87: {  	_ =	shalt  }
.Lfunc_end0:
.L_simem_size_0:
called_computation_lowered:
.L_overlay_start_0:
0x88: {  	s2 =	sld [smem:$0x3FD9]  }
0x89: {  	s3 =	sld [smem:$0x3FFE];
	_ =	sdelay $0x1  }
0x8a: {  	s1 =	srdreg.scid  }
0x8b: {  	s0 =	sand.u32 $0x1, s1  }
0x8c: {  	s17 =	sshll.u32 s0, $0xA;
	s2 =	sadd.s32 s3, s2  }
0x8d: {  	s2 =	sadd.s32 s2, s17  }
0x8e: {  	[smem:$0x3FC3] =	sst s2  }
0x8f: {  	_ = 	snop  }
0x90: {  	s2 =	sld [smem:$0x3FC9];
	(tm) =	ssettm $0x1  }
0x91: {  	s18 =	sld [smem:$0x3FFB];
	_ =	sdelay $0x3  }
0x92: {  	_ =	strace s18  }
0x93: {  	s3 =	sld [smem:$0x3FFC];
	_ =	sdelay $0x3  }
0x94: {  	_ =	strace s3  }
0x95: {  	s3 =	sld [smem:$0x3FFD];
	_ =	sdelay $0x3  }
0x96: {  	_ =	strace s3  }
0x97: {  	_ =	strace $0x8FFFFFFF  }
0x98: {  	s19 =	sld [smem:$0x3FDB];
	_ =	sdelay $0x1  }
0x99: {  	s4 =	simm.s32 $_scs_section_size  }
0x9a: {  	s5 =	simm.s32 $_size__tile_overlayer_lowered;
	s6 =	simm.s32 $_tile_overlayer_lowered  }
0x9b: {  	s22 =	simm.s32 $0x1BFF;
	s21 =	sshll.u32 s6, $0x1;
	s3 =	sadd.s32 s4, s19  }
0x9c: {  	s7 =	simm.s32 $0x0;
	s20 =	sshll.u32 s5, $0x1;
	s5 =	sadd.s32 s21, s3  }
0x9d: {  	[timem:s7], [sflag:s22] =	dma.local [hbm:s5], s20  }
0x9e: {  	_ =	swait.ge [sflag:s22], s20  }
0x9f: {  	s4 =	ssub.s32 $0x0, s20;
	[sflag:s22] =	ssyncset.done $0x0  }
0xa0: {  	[sflag:s22] =	ssyncadd.s32 s4;
	_ =	sdelay $0x1  }
0xa1: {  	s23 =	simm.s32 $0x1B8B  }
0xa2: {  	_ =	swait.ge [sflag:s23], $0x1  }
0xa3: {  	[sflag:s23] =	ssyncset.done $0x0  }
0xa4: {  	s25 =	simm.s32 $0x1B8E;
	s24 =	sld [smem:$0x3FFE];
	[sflag:s23] =	ssyncadd.s32 $0xFFFFFFFF  }
0xa5: {  	s26 =	simm.s32 $execute0_lowered;
	[smem:$0x3FD2] =	sst s25  }
0xa6: {  	s5 =	sshll.u32 s26, $0x1;
	_ =	strace $0x80000046;
	[dreg:$0x1] =	wrdreg $0xFFFFFFFF  }
0xa7: {  	s28 =	simm.s32 $_size_execute0_lowered;
	s3 =	sadd.s32 s3, s5;
	[dreg:$0x0] =	wrdreg $0x0  }
0xa8: {  	s5 =	sshll.u32 s28, $0x1;
	[dreg:$0x2] =	wrdreg s3  }
0xa9: {  	[dreg:$0x3] =	wrdreg s5  }
0xaa: {  	[dreg:$0x4] =	wrdreg $0xC0  }
0xab: {  	_ =	task [dreg:s7], $0x5FFFF  }
0xac: {  	[dreg:$0x1] =	wrdreg $0xFFFFFFFF  }
0xad: {  	[dreg:$0x0] =	wrdreg $0x60  }
0xae: {  	[dreg:$0x2] =	wrdreg s2  }
0xaf: {  	[dreg:$0x3] =	wrdreg s24  }
0xb0: {  	[dreg:$0x4] =	wrdreg $0x9  }
0xb1: {  	_ =	task.clear_ibuf [dreg:s7], $0x5FFFF;
	_ =	strace $0x90000046  }
0xb2: {  	s29 =	simm.s32 $0x9;
	_ =	strace $0x80000048  }
0xb3: {  	_ =	swait.ge [sflag:s29], $0x1  }
0xb4: {  	[sflag:s29] =	ssyncadd.s32 $0xFFFFFFFF  }
0xb5: {  	_ =	strace $0x90000048  }
0xb6: {  	_ =	sfence  }
0xb7: {  	s30 =	sld [smem:$0x0];
	_ =	sdelay $0x2  }
0xb8: {  	s31 =	sshll.u32 s1, $0xD;
	s1 =	sshrl.u32 s1, $0x2  }
0xb9: {  	s3 =	sand.u32 $0x4000, s31;
	s1 =	sadd.s32 s1, s30  }
0xba: {  	s0 =	sor.u32 s3, s0;
	s1 =	sshll.u32 s1, $0x11  }
0xbb: {  	s0 =	sor.u32 s1, s0  }
0xbc: {  	s0 =	sadd.s32 $0x8F2B, s0  }
0xbd: {  	[sflag:s0] =	ssyncadd.remote.s32 $0x1  }
0xbe: {  	_ =	sfence.sel $0xFFFF  }
0xbf: {  	[dreg:$0x0] =	wrdreg $0xFFFFFFFF;
	(pc) =	sbr.abs _section_cstart, $3  }
0xc0: {  	[dreg:$0x1] =	wrdreg $0xFFFFFFFF  }
0xc1: {  	_ =	task.clear_ibuf [dreg:s7], $0x2FFFF;
	_ =	strace $0x9FFFFFFF  }
0xc2: {  	(tm) =	ssettm $0x7FFFFFFF  }
0xc3: {  	_ =	shalt  }
tec
execute0_lowered:
.L_overlay_start_1:
0x0: {  	(tag) =	ssettag $0x1  }
0x1: {  	s1 =	srdreg.scid  }
0x2: {  	s0 =	stileid.u32;
	s3 =	sand.u32 $0x1, s1  }
0x3: {  	s1 =	sor.u32 s3, s0  }
0x4: {  	p1 =	seq.s32 s3, $0x1;
	p0 =	seq.s32 s1, $0x0  }
0x5: {  	p0 =	por !p0, !p1  }
0x6: {  	s1 =	simm.s32 $0x1;
	p0 =	por !p0, !p0  }
0x7: {  	s5 =	rddreg [dreg:$0x0];
	s1 =	simm.s32 @!p0 $0x0  }
0x8: {  	s7 =	rddreg [dreg:$0x1];
	s2 =	simm.s32 $0x0;
	s4 =	ssub.s32 s0, s1  }
0x9: {  	s10 =	simm.s32 $0x1;
	s14 =	simm.s32 $0xD880;
	s1 =	sand.u32 $0xE0, s4  }
0xa: {  	s15 =	simm.s32 $0xD900;
	s16 =	simm.s32 $0xD980;
	s1 =	sshrl.u32 s1, $0x5  }
0xb: {  	s17 =	simm.s32 $0xDA00;
	s18 =	simm.s32 $0xDA80;
	s6 =	sadd.s32 s1, s4  }
0xc: {  	s19 =	simm.s32 $0x0;
	[smem:$0x7FF] =	sst s2;
	s8 =	sand.u32 $0xFFFFFFF8, s6  }
0xd: {  	s12 =	sadd.s32 $0x1000, s7;
	s9 =	sshll.u32 s3, $0x1;
	s8 =	ssub.s32 s4, s8  }
0xe: {  	s21 =	ssub.s32 $0x2, s3;
	p5 =	slt.s32 s4, $0x1;
	p6 =	sne.s32 s8, $0x0  }
0xf: {  	s11 =	smul.u32 $0x36000, s3;
	s3 =	simm.s32 $0x1;
	p0 =	por !p5, !p6  }
0x10: {  	s23 =	sshrl.u32 s21, $0x1;
	s6 =	sshrl.u32 s6, $0x3;
	p0 =	por !p0, !p0  }
0x11: {  	s4 =	smul.u32 $0x6C000, s4;
	s6 =	sadd.s32 s6, s9;
	s10 =	simm.s32 @!p0 $0x0  }
0x12: {  	s13 =	ssub.s32 s21, s23;
	s1 =	rddreg [dreg:$0x2];
	s22 =	ssub.s32 s6, s10  }
0x13: {  	s24 =	sshll.u32 s8, $0x7;
	s4 =	sadd.s32 s11, s4;
	s10 =	smul.u32 $0x1800, s22  }
0x14: {  	_ =	strace $0x80000047;
	s25 =	sand.u32 $0x380, s24;
	s4 =	sadd.s32 $0x1440000, s4  }
0x15: {  	s11 =	smax.u32 s13, $0x1;
	s29 =	sshrl.u32 s4, $0x3;
	s26 =	sor.u32 s25, s10  }
0x16: {  	s13 =	simm.s32 $0x2;
	s5 =	sadd.s32 s5, s29;
	s6 =	sshrl.u32 s26, $0x3  }
0x17: {  	s28 =	sadd.s32 $0x800, s26;
	s30 =	sadd.s32 $0xC00, s26;
	s10 =	sadd.s32 $0x1000, s26  }
0x18: {  	s8 =	sadd.s32 $0x1400, s26;
	s4 =	sadd.s32 s12, s6;
	s7 =	sshrl.u32 s28, $0x3  }
0x19: {  	s9 =	sshrl.u32 s30, $0x3;
	s10 =	sshrl.u32 s10, $0x3;
	s31 =	sshrl.u32 s8, $0x3  }
0x1a: {  	s6 =	sadd.s32 $0x80, s4;
	s7 =	sadd.s32 s12, s7;
	s8 =	sadd.s32 s12, s9  }
0x1b: {  	s9 =	sadd.s32 s12, s10;
	s10 =	sadd.s32 s12, s31;
	s12 =	simm.s32 $0xD800  }
.LBB2_1:
0x1c: {  	[tilespmem:s2], [sflag:$0x1] =	stream.linear.gather [hbm4b:s5+s2], $0xD800, $0x38;
	[tilespmem:$0xDB00] =	vst v63  }
0x1d: {  	_ =	swait.ge [sflag:s3], $0xD800  }
0x1e: {  	s20 =	sand.u32 $0x70, s2;
	s21 =	sand.u32 $0x1C00, s2;
	[sflag:s3] =	ssyncset.done $0x0  }
0x1f: {  	s21 =	sor.u32 s20, s21;
	[sflag:s3] =	ssyncadd.s32 $0xFFFF2800  }
0x20: {  	v0 =	vld [tilespmem:s21+$0xC180];
	_ =	sdelay $0x2  }
0x21: {  	v17 =	vld [tilespmem:s21+$0xC000]  }
0x22: {  	v18 =	vld [tilespmem:s21+$0xC080]  }
0x23: {  	v20 =	vld [tilespmem:s21+$0xC100];
	[tilespmem:$0x1FDA0] =	vst v0  }
0x24: {  	v0 =	vld [tilespmem:s21+$0xC200];
	_ =	sdelay $0x4  }
0x25: {  	[tilespmem:$0x1FDB0] =	vst v0  }
0x26: {  	v0 =	vld [tilespmem:s21+$0xC280];
	_ =	sdelay $0x4  }
0x27: {  	[tilespmem:$0x1FDC0] =	vst v0  }
0x28: {  	v0 =	vld [tilespmem:s21+$0xC300];
	_ =	sdelay $0x4  }
0x29: {  	[tilespmem:$0x1FDD0] =	vst v0  }
0x2a: {  	v0 =	vld [tilespmem:s21+$0xC380];
	_ =	sdelay $0x4  }
0x2b: {  	[tilespmem:$0x1FDE0] =	vst v0  }
0x2c: {  	v0 =	vld [tilespmem:s21+$0x0];
	_ =	sdelay $0x4  }
0x2d: {  	[tilespmem:$0x1FDF0] =	vst v0  }
0x2e: {  	v0 =	vld [tilespmem:s21+$0x80];
	_ =	sdelay $0x4  }
0x2f: {  	[tilespmem:$0x1FE00] =	vst v0  }
0x30: {  	v0 =	vld [tilespmem:s21+$0x100];
	_ =	sdelay $0x4  }
0x31: {  	[tilespmem:$0x1FE10] =	vst v0  }
0x32: {  	v0 =	vld [tilespmem:s21+$0x200];
	_ =	sdelay $0x4  }
0x33: {  	v19 =	vld [tilespmem:s21+$0x180];
	[tilespmem:$0x1FE20] =	vst v0  }
0x34: {  	v21 =	vld [tilespmem:s21+$0x280]  }
0x35: {  	v22 =	vld [tilespmem:s21+$0x300]  }
0x36: {  	v23 =	vld [tilespmem:s21+$0x380]  }
0x37: {  	v24 =	vld [tilespmem:s21+$0x1800]  }
0x38: {  	v25 =	vld [tilespmem:s21+$0x1880]  }
0x39: {  	v26 =	vld [tilespmem:s21+$0x1900]  }
0x3a: {  	v27 =	vld [tilespmem:s21+$0x1980]  }
0x3b: {  	v28 =	vld [tilespmem:s21+$0x1A00]  }
0x3c: {  	v29 =	vld [tilespmem:s21+$0x1A80]  }
0x3d: {  	v30 =	vld [tilespmem:s21+$0x1B00]  }
0x3e: {  	v31 =	vld [tilespmem:s21+$0x1B80]  }
0x3f: {  	v32 =	vld [tilespmem:s21+$0x3000]  }
0x40: {  	v33 =	vld [tilespmem:s21+$0x3080]  }
0x41: {  	v34 =	vld [tilespmem:s21+$0x3100]  }
0x42: {  	v35 =	vld [tilespmem:s21+$0x3180]  }
0x43: {  	v36 =	vld [tilespmem:s21+$0x3200]  }
0x44: {  	v37 =	vld [tilespmem:s21+$0x3280]  }
0x45: {  	v38 =	vld [tilespmem:s21+$0x3300]  }
0x46: {  	v39 =	vld [tilespmem:s21+$0x3380]  }
0x47: {  	v40 =	vld [tilespmem:s21+$0x4800]  }
0x48: {  	v41 =	vld [tilespmem:s21+$0x4880]  }
0x49: {  	v42 =	vld [tilespmem:s21+$0x4900]  }
0x4a: {  	v43 =	vld [tilespmem:s21+$0x4980]  }
0x4b: {  	v44 =	vld [tilespmem:s21+$0x4A00]  }
0x4c: {  	v45 =	vld [tilespmem:s21+$0x4A80]  }
0x4d: {  	v46 =	vld [tilespmem:s21+$0x4B00]  }
0x4e: {  	v47 =	vld [tilespmem:s21+$0x4B80]  }
0x4f: {  	v48 =	vld [tilespmem:s21+$0x6000]  }
0x50: {  	v49 =	vld [tilespmem:s21+$0x6080]  }
0x51: {  	v50 =	vld [tilespmem:s21+$0x6100]  }
0x52: {  	v51 =	vld [tilespmem:s21+$0x6180]  }
0x53: {  	v52 =	vld [tilespmem:s21+$0x6200]  }
0x54: {  	v53 =	vld [tilespmem:s21+$0x6280]  }
0x55: {  	v54 =	vld [tilespmem:s21+$0x6300]  }
0x56: {  	v55 =	vld [tilespmem:s21+$0x6380]  }
0x57: {  	v56 =	vld [tilespmem:s21+$0x7800]  }
0x58: {  	v57 =	vld [tilespmem:s21+$0x7880]  }
0x59: {  	v58 =	vld [tilespmem:s21+$0x7900]  }
0x5a: {  	v59 =	vld [tilespmem:s21+$0x7980]  }
0x5b: {  	v60 =	vld [tilespmem:s21+$0x7A00]  }
0x5c: {  	v61 =	vld [tilespmem:s21+$0x7A80]  }
0x5d: {  	v62 =	vld [tilespmem:s21+$0x7B00]  }
0x5e: {  	v63 =	vld [tilespmem:s21+$0x7B80]  }
0x5f: {  	v16 =	vld [tilespmem:s21+$0x9000]  }
0x60: {  	v14 =	vld [tilespmem:s21+$0x9080]  }
0x61: {  	v13 =	vld [tilespmem:s21+$0x9100]  }
0x62: {  	v11 =	vld [tilespmem:s21+$0x9180]  }
0x63: {  	v15 =	vld [tilespmem:s21+$0x9200]  }
0x64: {  	v9 =	vld [tilespmem:s21+$0x9280]  }
0x65: {  	v10 =	vld [tilespmem:s21+$0x9300]  }
0x66: {  	v7 =	vld [tilespmem:s21+$0x9380]  }
0x67: {  	s31 =	simm.s32 $0x10;
	s22 =	simm.s32 $0x80;
	v12 =	vld [tilespmem:s21+$0xA800]  }
0x68: {  	s20 =	sand.u32 $0x70, s31;
	s22 =	sand.u32 $0x1C00, s22;
	v5 =	vld [tilespmem:s21+$0xA880]  }
0x69: {  	s20 =	sor.u32 s20, s22;
	v6 =	vld [tilespmem:s21+$0xA900]  }
0x6a: {  	v0 =	vld [tilespmem:s20+$0xC000]  }
0x6b: {  	v4 =	vld [tilespmem:s21+$0xA980]  }
0x6c: {  	v8 =	vld [tilespmem:s21+$0xAA00]  }
0x6d: {  	v3 =	vld [tilespmem:s21+$0xAA80]  }
0x6e: {  	v2 =	vld [tilespmem:s21+$0xAB00]  }
0x6f: {  	v1 =	vld [tilespmem:s21+$0xAB80];
	[tilespmem:$0x1FE50] =	vst v0  }
0x70: {  	v0 =	vld [tilespmem:s20+$0xC080];
	_ =	sdelay $0x4  }
0x71: {  	[tilespmem:$0x1FE60] =	vst v0  }
0x72: {  	v0 =	vld [tilespmem:s20+$0xC100];
	_ =	sdelay $0x4  }
0x73: {  	[tilespmem:$0x1FE70] =	vst v0  }
0x74: {  	v0 =	vld [tilespmem:s20+$0xC180];
	_ =	sdelay $0x4  }
0x75: {  	[tilespmem:$0x1FE80] =	vst v0  }
0x76: {  	v0 =	vld [tilespmem:s20+$0xC200];
	_ =	sdelay $0x4  }
0x77: {  	[tilespmem:$0x1FEA0] =	vst v0  }
0x78: {  	v0 =	vld [tilespmem:s20+$0xC280];
	_ =	sdelay $0x4  }
0x79: {  	[tilespmem:$0x1FEB0] =	vst v0  }
0x7a: {  	v0 =	vld [tilespmem:s20+$0xC300];
	_ =	sdelay $0x4  }
0x7b: {  	[tilespmem:$0x1FED0] =	vst v0  }
0x7c: {  	v0 =	vld [tilespmem:s20+$0xC380];
	_ =	sdelay $0x4  }
0x7d: {  	[tilespmem:$0x1FEE0] =	vst v0  }
0x7e: {  	v0 =	vld [tilespmem:s20+$0x0];
	_ =	sdelay $0x4  }
0x7f: {  	[tilespmem:$0x1FF00] =	vst v0  }
0x80: {  	v0 =	vld [tilespmem:s20+$0x80];
	_ =	sdelay $0x4  }
0x81: {  	[tilespmem:$0x1FF10] =	vst v0  }
0x82: {  	v0 =	vld [tilespmem:s20+$0x100];
	_ =	sdelay $0x4  }
0x83: {  	[tilespmem:$0x1FF20] =	vst v0  }
0x84: {  	v0 =	vld [tilespmem:s20+$0x180];
	_ =	sdelay $0x4  }
0x85: {  	[tilespmem:$0x1FF30] =	vst v0  }
0x86: {  	v0 =	vld [tilespmem:s20+$0x200];
	_ =	sdelay $0x4  }
0x87: {  	[tilespmem:$0x1FF40] =	vst v0  }
0x88: {  	v0 =	vld [tilespmem:s20+$0x280];
	_ =	sdelay $0x4  }
0x89: {  	[tilespmem:$0x1FF50] =	vst v0  }
0x8a: {  	v0 =	vld [tilespmem:s20+$0x300];
	_ =	sdelay $0x4  }
0x8b: {  	[tilespmem:$0x1FF60] =	vst v0  }
0x8c: {  	v0 =	vld [tilespmem:s20+$0x380];
	_ =	sdelay $0x4  }
0x8d: {  	[tilespmem:$0x1FF70] =	vst v0  }
0x8e: {  	v0 =	vld [tilespmem:s20+$0x1800];
	_ =	sdelay $0x4  }
0x8f: {  	[tilespmem:$0x1FF80] =	vst v0  }
0x90: {  	v0 =	vld [tilespmem:s20+$0x1880];
	_ =	sdelay $0x4  }
0x91: {  	[tilespmem:$0x1FF90] =	vst v0  }
0x92: {  	v0 =	vld [tilespmem:s20+$0x1900];
	_ =	sdelay $0x4  }
0x93: {  	[tilespmem:$0x1FFA0] =	vst v0  }
0x94: {  	v0 =	vld [tilespmem:s20+$0x1980];
	_ =	sdelay $0x4  }
0x95: {  	[tilespmem:$0x1FFB0] =	vst v0  }
0x96: {  	v0 =	vld [tilespmem:s20+$0x1A00];
	_ =	sdelay $0x4  }
0x97: {  	[tilespmem:$0x1FFC0] =	vst v0;
	v0 =	vadd.f32 v18, v17;
	_ =	sdelay $0x1  }
0x98: {  	[tilespmem:$0x1FE30] =	vst v0;
	v0 =	vld [tilespmem:$0x1FDA0];
	_ =	sdelay $0x4  }
0x99: {  	v0 =	vadd.f32 v0, v20;
	_ =	sdelay $0x1  }
0x9a: {  	[tilespmem:$0x1FE40] =	vst v0  }
0x9b: {  	v0 =	vld [tilespmem:s20+$0x1A80];
	_ =	sdelay $0x3  }
0x9c: {  	v17 =	vld [tilespmem:$0x1FDC0]  }
0x9d: {  	[tilespmem:$0x1FFD0] =	vst v0;
	v0 =	vld [tilespmem:$0x1FDB0];
	_ =	sdelay $0x4  }
0x9e: {  	v18 =	vadd.f32 v17, v0;
	v0 =	vld [tilespmem:$0x1FDD0]  }
0x9f: {  	v17 =	vld [tilespmem:$0x1FDE0];
	_ =	sdelay $0x4  }
0xa0: {  	v17 =	vadd.f32 v17, v0;
	v0 =	vld [tilespmem:s20+$0x1B00];
	_ =	sdelay $0x3  }
0xa1: {  	v20 =	vld [tilespmem:$0x1FE00]  }
0xa2: {  	[tilespmem:$0x1FFE0] =	vst v0;
	v0 =	vld [tilespmem:$0x1FDF0];
	_ =	sdelay $0x4  }
0xa3: {  	v0 =	vadd.f32 v20, v0;
	v20 =	vld [tilespmem:$0x1FE10];
	_ =	sdelay $0x2  }
0xa4: {  	v5 =	vadd.f32 v5, v12  }
0xa5: {  	v4 =	vadd.f32 v4, v6;
	v3 =	vadd.f32 v3, v8  }
0xa6: {  	v1 =	vadd.f32 v1, v2;
	v19 =	vadd.f32 v19, v20;
	v20 =	vld [tilespmem:s20+$0x1B80]  }
0xa7: {  	v57 =	vadd.f32 v57, v56;
	v59 =	vadd.f32 v59, v58;
	v56 =	vld [tilespmem:$0x1FE70]  }
0xa8: {  	v4 =	vadd.f32 v4, v5;
	v1 =	vadd.f32 v1, v3;
	v58 =	vld [tilespmem:$0x1FEA0]  }
0xa9: {  	v61 =	vadd.f32 v61, v60;
	v60 =	vld [tilespmem:$0x1FED0]  }
0xaa: {  	v1 =	vadd.f32 v1, v4;
	v4 =	vld [tilespmem:$0x1FE30]  }
0xab: {  	[tilespmem:$0x1FFF0] =	vst v20;
	v20 =	vld [tilespmem:$0x1FE20]  }
0xac: {  	v11 =	vadd.f32 v11, v13;
	v13 =	vld [tilespmem:s20+$0x4980]  }
0xad: {  	v9 =	vadd.f32 v9, v15;
	v15 =	vld [tilespmem:s20+$0x4A00]  }
0xae: {  	v14 =	vadd.f32 v14, v16;
	v16 =	vld [tilespmem:s20+$0x4A80]  }
0xaf: {  	v0 =	vadd.f32 v19, v0;
	v19 =	vld [tilespmem:s20+$0x4B80]  }
0xb0: {  	v20 =	vadd.f32 v21, v20;
	v21 =	vadd.f32 v23, v22;
	v22 =	vld [tilespmem:s20+$0x3000]  }
0xb1: {  	v23 =	vadd.f32 v25, v24;
	v25 =	vld [tilespmem:s20+$0x3080]  }
0xb2: {  	v24 =	vadd.f32 v27, v26;
	v26 =	vadd.f32 v29, v28;
	v28 =	vld [tilespmem:s20+$0x3100]  }
0xb3: {  	v27 =	vadd.f32 v31, v30;
	v31 =	vld [tilespmem:s20+$0x3180]  }
0xb4: {  	v30 =	vadd.f32 v35, v34;
	v34 =	vld [tilespmem:s20+$0x3200]  }
0xb5: {  	v29 =	vadd.f32 v33, v32;
	v32 =	vadd.f32 v37, v36;
	v37 =	vld [tilespmem:s20+$0x3280]  }
0xb6: {  	v35 =	vadd.f32 v41, v40;
	v40 =	vld [tilespmem:s20+$0x3300]  }
0xb7: {  	v36 =	vadd.f32 v43, v42;
	v43 =	vld [tilespmem:s20+$0x3380]  }
0xb8: {  	v33 =	vadd.f32 v39, v38;
	v39 =	vadd.f32 v47, v46;
	v46 =	vld [tilespmem:s20+$0x4800]  }
0xb9: {  	v41 =	vadd.f32 v49, v48;
	v49 =	vld [tilespmem:s20+$0x4880]  }
0xba: {  	v38 =	vadd.f32 v45, v44;
	v44 =	vadd.f32 v53, v52;
	v52 =	vld [tilespmem:s20+$0x4900]  }
0xbb: {  	v53 =	vld [tilespmem:s20+$0x4B00]  }
0xbc: {  	v62 =	vadd.f32 v63, v62;
	v45 =	vadd.f32 v55, v54;
	v54 =	vld [tilespmem:$0x1FE50]  }
0xbd: {  	v55 =	vld [tilespmem:$0x1FE60]  }
0xbe: {  	v47 =	vadd.f32 v62, v61;
	v61 =	vld [tilespmem:$0x1FEE0]  }
0xbf: {  	v62 =	vld [tilespmem:$0x1FF00]  }
0xc0: {  	v63 =	vadd.f32 v21, v20;
	v20 =	vld [tilespmem:s20+$0x6000]  }
0xc1: {  	v21 =	vld [tilespmem:s20+$0x6080]  }
0xc2: {  	v8 =	vadd.f32 v27, v26;
	v26 =	vld [tilespmem:s20+$0x6100]  }
0xc3: {  	v7 =	vadd.f32 v7, v10;
	v10 =	vadd.f32 v30, v29;
	v30 =	vld [tilespmem:s20+$0x6180]  }
0xc4: {  	v6 =	vadd.f32 v24, v23;
	v23 =	vadd.f32 v36, v35;
	v35 =	vld [tilespmem:s20+$0x6200]  }
0xc5: {  	v11 =	vadd.f32 v11, v14;
	v36 =	vld [tilespmem:s20+$0x6280]  }
0xc6: {  	v7 =	vadd.f32 v7, v9;
	v24 =	vadd.f32 v39, v38;
	v38 =	vld [tilespmem:s20+$0x6300]  }
0xc7: {  	v42 =	vadd.f32 v51, v50;
	v39 =	vld [tilespmem:s20+$0x6380]  }
0xc8: {  	v7 =	vadd.f32 v7, v11;
	v12 =	vadd.f32 v33, v32;
	v32 =	vld [tilespmem:s20+$0x7A00]  }
0xc9: {  	v27 =	vadd.f32 v42, v41;
	v29 =	vadd.f32 v45, v44;
	v33 =	vld [tilespmem:s20+$0x7A80]  }
0xca: {  	v45 =	vadd.f32 v59, v57;
	v41 =	vld [tilespmem:s20+$0x7B00];
	v0 =	vadd.f32 v63, v0  }
0xcb: {  	v42 =	vld [tilespmem:s20+$0x7B80];
	v3 =	vadd.f32 v12, v10;
	v5 =	vadd.f32 v24, v23  }
0xcc: {  	v44 =	vld [tilespmem:s20+$0x9000];
	v48 =	vadd.f32 v8, v6;
	v6 =	vadd.f32 v29, v27  }
0xcd: {  	v8 =	vadd.f32 v47, v45;
	v50 =	vadd.f32 v5, v3;
	v5 =	vld [tilespmem:$0x1FE40]  }
0xce: {  	v1 =	vadd.f32 v1, v7;
	v57 =	vld [tilespmem:$0x1FE80]  }
0xcf: {  	v59 =	vld [tilespmem:$0x1FEB0];
	v0 =	vadd.f32 v48, v0;
	v3 =	vadd.f32 v8, v6  }
0xd0: {  	v23 =	vld [tilespmem:s20+$0x7800]  }
0xd1: {  	v24 =	vld [tilespmem:s20+$0x7880];
	v0 =	vadd.f32 v50, v0;
	v1 =	vadd.f32 v1, v3  }
0xd2: {  	v27 =	vld [tilespmem:s20+$0x7900];
	v4 =	vadd.f32 v5, v4;
	v5 =	vadd.f32 v17, v18  }
0xd3: {  	v29 =	vld [tilespmem:s20+$0x7980]  }
0xd4: {  	v45 =	vld [tilespmem:s20+$0x9080];
	v0 =	vadd.f32 v1, v0;
	v51 =	vadd.f32 v5, v4  }
0xd5: {  	v63 =	vadd.f32 v55, v54;
	v55 =	vld [tilespmem:$0x1FF10]  }
0xd6: {  	v48 =	vld [tilespmem:s20+$0x9100];
	v47 =	vadd.f32 v51, v0;
	v0 =	vadd.f32 v57, v56  }
0xd7: {  	v50 =	vld [tilespmem:s20+$0x9180]  }
0xd8: {  	[tilespmem:$0x1FE90] =	vst v0;
	v0 =	vadd.f32 v59, v58;
	v58 =	vld [tilespmem:$0x1FF40]  }
0xd9: {  	v59 =	vld [tilespmem:$0x1FF50]  }
0xda: {  	v51 =	vld [tilespmem:s20+$0x9200]  }
0xdb: {  	[tilespmem:$0x1FEC0] =	vst v0;
	v0 =	vadd.f32 v61, v60;
	v60 =	vld [tilespmem:$0x1FF60]  }
0xdc: {  	v61 =	vld [tilespmem:$0x1FF70];
	_ =	sdelay $0x1  }
0xdd: {  	v56 =	vld [tilespmem:$0x1FF20]  }
0xde: {  	v57 =	vld [tilespmem:$0x1FF30]  }
0xdf: {  	v55 =	vadd.f32 v55, v62;
	v62 =	vld [tilespmem:$0x1FF80]  }
0xe0: {  	v58 =	vadd.f32 v59, v58;
	v59 =	vadd.f32 v61, v60;
	v61 =	vld [tilespmem:$0x1FF90]  }
0xe1: {  	[tilespmem:$0x1FEF0] =	vst v0;
	v0 =	vld [tilespmem:$0x1FFC0]  }
0xe2: {  	v54 =	vld [tilespmem:s20+$0x9280]  }
0xe3: {  	v56 =	vadd.f32 v57, v56;
	v57 =	vld [tilespmem:s20+$0x9300]  }
0xe4: {  	v1 =	vld [tilespmem:s20+$0xA880]  }
0xe5: {  	v4 =	vadd.f32 v61, v62;
	v62 =	vld [tilespmem:$0x1FFA0]  }
0xe6: {  	v61 =	vld [tilespmem:$0x1FFB0]  }
0xe7: {  	v9 =	vadd.f32 v31, v28;
	v31 =	vld [tilespmem:s20+$0xA900]  }
0xe8: {  	v2 =	vld [tilespmem:s20+$0xA980]  }
0xe9: {  	v14 =	vadd.f32 v16, v15;
	v12 =	vadd.f32 v49, v46;
	v46 =	vld [tilespmem:s20+$0xAA00]  }
0xea: {  	v10 =	vadd.f32 v37, v34;
	v11 =	vadd.f32 v43, v40;
	v49 =	vld [tilespmem:s20+$0xAA80]  }
0xeb: {  	v13 =	vadd.f32 v13, v52;
	v5 =	vadd.f32 v61, v62;
	v62 =	vld [tilespmem:$0x1FFD0]  }
0xec: {  	v15 =	vadd.f32 v19, v53;
	v8 =	vadd.f32 v25, v22;
	v52 =	vld [tilespmem:s20+$0xAB00]  }
0xed: {  	v16 =	vadd.f32 v21, v20;
	v19 =	vadd.f32 v39, v38;
	v53 =	vld [tilespmem:s20+$0xAB80]  }
0xee: {  	v22 =	vadd.f32 v33, v32;
	v20 =	vadd.f32 v24, v23;
	v60 =	vld [tilespmem:s20+$0x9380]  }
0xef: {  	v21 =	vadd.f32 v29, v27;
	v24 =	vadd.f32 v42, v41;
	v61 =	vld [tilespmem:s20+$0xA800]  }
0xf0: {  	v23 =	vadd.f32 v45, v44;
	v6 =	vadd.f32 v62, v0;
	v0 =	vld [tilespmem:$0x1FFE0]  }
0xf1: {  	v17 =	vadd.f32 v30, v26;
	v18 =	vadd.f32 v36, v35;
	v62 =	vld [tilespmem:$0x1FFF0]  }
0xf2: {  	v25 =	vadd.f32 v50, v48;
	v32 =	vadd.f32 v56, v55  }
0xf3: {  	v33 =	vadd.f32 v59, v58;
	v26 =	vadd.f32 v54, v51  }
0xf4: {  	v29 =	vadd.f32 v2, v31;
	v30 =	vadd.f32 v49, v46  }
0xf5: {  	v31 =	vadd.f32 v53, v52;
	v28 =	vadd.f32 v60, v57  }
0xf6: {  	s22 =	simm.s32 $0x100;
	s21 =	simm.s32 $0x20;
	s20 =	simm.s32 $0xD800;
	v27 =	vadd.f32 v1, v61;
	[tilespmem:s12+$0x0] =	vst v47;
	v7 =	vadd.f32 v62, v0  }
.LBB2_2:
0xf7: {  	v60 =	vld [tilespmem:$0x1FE90]  }
0xf8: {  	s23 =	sand.u32 $0x70, s21;
	s24 =	sand.u32 $0x1C00, s22;
	v1 =	vld [tilespmem:$0x1FEC0]  }
0xf9: {  	v2 =	vld [tilespmem:$0x1FEF0];
	s23 =	sor.u32 s23, s24  }
0xfa: {  	v36 =	vadd.f32 v9, v8;
	v34 =	vadd.f32 v5, v4;
	v0 =	vld [tilespmem:s23+$0xC000]  }
0xfb: {  	v35 =	vadd.f32 v7, v6;
	v11 =	vadd.f32 v11, v10;
	v59 =	vld [tilespmem:s23+$0xC080]  }
0xfc: {  	v12 =	vadd.f32 v13, v12;
	v13 =	vadd.f32 v15, v14;
	v5 =	vld [tilespmem:s23+$0xC100]  }
0xfd: {  	v14 =	vadd.f32 v17, v16;
	v15 =	vadd.f32 v19, v18;
	v4 =	vld [tilespmem:s23+$0xC180]  }
0xfe: {  	v16 =	vadd.f32 v21, v20;
	v17 =	vadd.f32 v24, v22;
	v8 =	vld [tilespmem:s23+$0xC200]  }
0xff: {  	v18 =	vadd.f32 v25, v23;
	v19 =	vadd.f32 v28, v26;
	v9 =	vld [tilespmem:s23+$0xC280]  }
0x100: {  	v20 =	vadd.f32 v29, v27;
	v22 =	vadd.f32 v33, v32;
	v32 =	vld [tilespmem:s23+$0xC300]  }
0x101: {  	v21 =	vadd.f32 v31, v30;
	v33 =	vld [tilespmem:s23+$0xC380];
	v23 =	vadd.f32 v35, v34  }
0x102: {  	v11 =	vadd.f32 v11, v36;
	v12 =	vadd.f32 v13, v12;
	v34 =	vld [tilespmem:s23+$0x0]  }
0x103: {  	v14 =	vadd.f32 v15, v14;
	v15 =	vadd.f32 v17, v16;
	v35 =	vld [tilespmem:s23+$0x80]  }
0x104: {  	v17 =	vadd.f32 v19, v18;
	v18 =	vadd.f32 v21, v20;
	v21 =	vld [tilespmem:s23+$0x1880]  }
0x105: {  	v20 =	vadd.f32 v23, v22;
	v11 =	vadd.f32 v12, v11;
	v12 =	vld [tilespmem:s23+$0x100]  }
0x106: {  	v14 =	vadd.f32 v15, v14;
	v15 =	vadd.f32 v18, v17;
	v17 =	vld [tilespmem:s23+$0x180]  }
0x107: {  	v1 =	vadd.f32 v2, v1;
	v18 =	vld [tilespmem:s23+$0x200];
	[tilespmem:$0x1FD80] =	vst v0;
	v0 =	vadd.f32 v60, v63  }
0x108: {  	v22 =	vld [tilespmem:s23+$0x1900];
	v61 =	vadd.f32 v11, v20;
	v3 =	vadd.f32 v15, v14  }
0x109: {  	v11 =	vld [tilespmem:s23+$0x280]  }
0x10a: {  	v14 =	vld [tilespmem:s23+$0x300];
	v0 =	vadd.f32 v1, v0;
	v62 =	vadd.f32 v3, v61  }
0x10b: {  	v15 =	vld [tilespmem:s23+$0x380]  }
0x10c: {  	[tilespmem:$0x1FD90] =	vst v59;
	v20 =	vld [tilespmem:s23+$0x1800];
	v0 =	vadd.f32 v0, v62  }
0x10d: {  	s20 =	sadd.s32 $0x10, s20;
	v63 =	vld [tilespmem:$0x1FD90]  }
0x10e: {  	[tilespmem:s20+$0x0] =	vst v0;
	v0 =	vld [tilespmem:$0x1FD80]  }
0x10f: {  	v23 =	vld [tilespmem:s23+$0x1980]  }
0x110: {  	v24 =	vld [tilespmem:s23+$0x1A00]  }
0x111: {  	v6 =	vld [tilespmem:s23+$0x1A80]  }
0x112: {  	v7 =	vld [tilespmem:s23+$0x1B00]  }
0x113: {  	v27 =	vld [tilespmem:s23+$0x1B80]  }
0x114: {  	v28 =	vld [tilespmem:s23+$0x3000]  }
0x115: {  	v29 =	vld [tilespmem:s23+$0x3080]  }
0x116: {  	v30 =	vld [tilespmem:s23+$0x3100]  }
0x117: {  	v31 =	vld [tilespmem:s23+$0x3180]  }
0x118: {  	v10 =	vld [tilespmem:s23+$0x3200]  }
0x119: {  	v13 =	vld [tilespmem:s23+$0x3280]  }
0x11a: {  	v16 =	vld [tilespmem:s23+$0x3300]  }
0x11b: {  	v19 =	vld [tilespmem:s23+$0x3380]  }
0x11c: {  	v36 =	vld [tilespmem:s23+$0x4800]  }
0x11d: {  	v37 =	vld [tilespmem:s23+$0x4880]  }
0x11e: {  	v38 =	vld [tilespmem:s23+$0x4900]  }
0x11f: {  	v39 =	vld [tilespmem:s23+$0x4980]  }
0x120: {  	v40 =	vld [tilespmem:s23+$0x4A00]  }
0x121: {  	v41 =	vld [tilespmem:s23+$0x4A80]  }
0x122: {  	v42 =	vld [tilespmem:s23+$0x4B00]  }
0x123: {  	v43 =	vld [tilespmem:s23+$0x4B80]  }
0x124: {  	v44 =	vld [tilespmem:s23+$0x6000]  }
0x125: {  	v45 =	vld [tilespmem:s23+$0x6080]  }
0x126: {  	v46 =	vld [tilespmem:s23+$0x6100]  }
0x127: {  	v47 =	vld [tilespmem:s23+$0x6180]  }
0x128: {  	v48 =	vld [tilespmem:s23+$0x6200]  }
0x129: {  	v49 =	vld [tilespmem:s23+$0x6280]  }
0x12a: {  	v50 =	vld [tilespmem:s23+$0x6300]  }
0x12b: {  	v51 =	vld [tilespmem:s23+$0x6380]  }
0x12c: {  	v52 =	vld [tilespmem:s23+$0x7800]  }
0x12d: {  	v53 =	vld [tilespmem:s23+$0x7880]  }
0x12e: {  	v54 =	vld [tilespmem:s23+$0x7900]  }
0x12f: {  	v55 =	vld [tilespmem:s23+$0x7980]  }
0x130: {  	v56 =	vld [tilespmem:s23+$0x7A00]  }
0x131: {  	v57 =	vld [tilespmem:s23+$0x7A80]  }
0x132: {  	v58 =	vld [tilespmem:s23+$0x7B00]  }
0x133: {  	v59 =	vld [tilespmem:s23+$0x7B80]  }
0x134: {  	v60 =	vld [tilespmem:s23+$0x9000]  }
0x135: {  	v33 =	vadd.f32 v33, v32;
	v61 =	vld [tilespmem:s23+$0x9080]  }
0x136: {  	v35 =	vadd.f32 v35, v34;
	v32 =	vadd.f32 v17, v12;
	v62 =	vld [tilespmem:s23+$0x9100]  }
0x137: {  	[tilespmem:$0x1FEF0] =	vst v33;
	v34 =	vadd.f32 v11, v18;
	v33 =	vadd.f32 v15, v14;
	v25 =	vld [tilespmem:s23+$0x9180]  }
0x138: {  	v32 =	vadd.f32 v32, v35;
	v26 =	vld [tilespmem:s23+$0x9200]  }
0x139: {  	v3 =	vld [tilespmem:s23+$0x9280];
	v33 =	vadd.f32 v33, v34;
	v63 =	vadd.f32 v63, v0  }
0x13a: {  	v2 =	vld [tilespmem:s23+$0x9300];
	v0 =	vadd.f32 v4, v5;
	v4 =	vadd.f32 v21, v20  }
0x13b: {  	v1 =	vld [tilespmem:s23+$0x9380];
	v5 =	vadd.f32 v23, v22;
	v6 =	vadd.f32 v6, v24  }
0x13c: {  	v7 =	vadd.f32 v27, v7;
	v27 =	vld [tilespmem:s23+$0xA880];
	v10 =	vadd.f32 v13, v10  }
0x13d: {  	v11 =	vadd.f32 v19, v16;
	v15 =	vadd.f32 v43, v42;
	v43 =	vld [tilespmem:s23+$0xAA80]  }
0x13e: {  	v12 =	vadd.f32 v37, v36;
	v17 =	vadd.f32 v47, v46;
	v47 =	vld [tilespmem:s23+$0xAB00]  }
0x13f: {  	v13 =	vadd.f32 v39, v38;
	v19 =	vadd.f32 v51, v50;
	v51 =	vld [tilespmem:s23+$0xAB80]  }
0x140: {  	[tilespmem:$0x1FE90] =	vst v0;
	v0 =	vadd.f32 v9, v8;
	v8 =	vadd.f32 v29, v28;
	v29 =	vld [tilespmem:s23+$0xA900]  }
0x141: {  	v14 =	vadd.f32 v41, v40;
	v9 =	vadd.f32 v31, v30;
	v30 =	vld [tilespmem:s23+$0xA980]  }
0x142: {  	v16 =	vadd.f32 v45, v44;
	v18 =	vadd.f32 v49, v48;
	v31 =	vld [tilespmem:s23+$0xAA00]  }
0x143: {  	p0 =	sne.s32 s22, $0x1780;
	v20 =	vadd.f32 v53, v52;
	v21 =	vadd.f32 v55, v54;
	[tilespmem:$0x1FEC0] =	vst v0;
	v0 =	vld [tilespmem:s23+$0xA800]  }
.Ltmp0:
0x144: {  	v22 =	vadd.f32 v57, v56;
	v24 =	vadd.f32 v59, v58;
	(pc) =	sbr.rel @p0 .LBB2_2-.Ltmp0, $4  }
0x145: {  	v23 =	vadd.f32 v61, v60;
	v25 =	vadd.f32 v25, v62  }
0x146: {  	v26 =	vadd.f32 v3, v26;
	v28 =	vadd.f32 v1, v2  }
0x147: {  	v29 =	vadd.f32 v30, v29;
	v30 =	vadd.f32 v43, v31  }
0x148: {  	s21 =	sadd.s32 $0x10, s21;
	s22 =	sadd.s32 $0x80, s22;
	v31 =	vadd.f32 v51, v47;
	v27 =	vadd.f32 v27, v0  }
0x149: {  	v0 =	vadd.f32 v5, v4;
	v1 =	vadd.f32 v7, v6  }
0x14a: {  	v2 =	vadd.f32 v9, v8;
	v3 =	vadd.f32 v11, v10  }
0x14b: {  	v40 =	vadd.f32 v13, v12;
	v41 =	vadd.f32 v15, v14  }
0x14c: {  	v42 =	vadd.f32 v17, v16;
	v43 =	vadd.f32 v19, v18  }
0x14d: {  	v44 =	vadd.f32 v21, v20;
	v45 =	vadd.f32 v24, v22  }
0x14e: {  	v46 =	vadd.f32 v25, v23;
	v47 =	vadd.f32 v28, v26  }
0x14f: {  	v50 =	vadd.f32 v33, v32;
	v59 =	vld [tilespmem:$0x1FE90];
	v48 =	vadd.f32 v29, v27  }
0x150: {  	v60 =	vld [tilespmem:$0x1FEC0];
	v49 =	vadd.f32 v31, v30;
	v0 =	vadd.f32 v1, v0  }
0x151: {  	v61 =	vld [tilespmem:$0x1FEF0];
	v51 =	vadd.f32 v3, v2;
	v52 =	vadd.f32 v41, v40  }
0x152: {  	v53 =	vadd.f32 v43, v42;
	v54 =	vadd.f32 v45, v44  }
0x153: {  	v55 =	vadd.f32 v47, v46;
	v56 =	vadd.f32 v49, v48  }
0x154: {  	v0 =	vadd.f32 v0, v50;
	v1 =	vadd.f32 v52, v51  }
0x155: {  	v57 =	vadd.f32 v54, v53;
	v58 =	vadd.f32 v56, v55  }
0x156: {  	v4 =	vadd.f32 v59, v63;
	v5 =	vadd.f32 v61, v60  }
0x157: {  	v0 =	vadd.f32 v1, v0;
	v62 =	vadd.f32 v58, v57;
	_ =	sdelay $0x1  }
0x158: {  	v63 =	vadd.f32 v5, v4;
	v0 =	vadd.f32 v62, v0;
	_ =	sdelay $0x1  }
0x159: {  	v0 =	vadd.f32 v63, v0  }
0x15a: {  	s20 =	sadd.s32 $0x10, s20  }
0x15b: {  	[tilespmem:s20+$0x0] =	vst v0  }
0x15c: {  	[hbm4b:s4+s2] =	stream.linear.scatter [tilespmem:s12], [sflag:$0x2], $0x80, $0x38;
	[tilespmem:$0xDB00] =	vst v63  }
0x15d: {  	_ =	swait.ge [sflag:s13], $0x80  }
0x15e: {  	[sflag:s13] =	ssyncset.done $0x0  }
0x15f: {  	[sflag:s13] =	ssyncadd.s32 $0xFFFFFF80  }
0x160: {  	[hbm4b:s6+s2] =	stream.linear.scatter [tilespmem:s14], [sflag:$0x2], $0x80, $0x38;
	[tilespmem:$0xDB00] =	vst v63  }
0x161: {  	_ =	swait.ge [sflag:s13], $0x80  }
0x162: {  	[sflag:s13] =	ssyncset.done $0x0  }
0x163: {  	[sflag:s13] =	ssyncadd.s32 $0xFFFFFF80  }
0x164: {  	[hbm4b:s7+s2] =	stream.linear.scatter [tilespmem:s15], [sflag:$0x2], $0x80, $0x38;
	[tilespmem:$0xDB00] =	vst v63  }
0x165: {  	_ =	swait.ge [sflag:s13], $0x80  }
0x166: {  	[sflag:s13] =	ssyncset.done $0x0  }
0x167: {  	[sflag:s13] =	ssyncadd.s32 $0xFFFFFF80  }
0x168: {  	[hbm4b:s8+s2] =	stream.linear.scatter [tilespmem:s16], [sflag:$0x2], $0x80, $0x38;
	[tilespmem:$0xDB00] =	vst v63  }
0x169: {  	_ =	swait.ge [sflag:s13], $0x80  }
0x16a: {  	[sflag:s13] =	ssyncset.done $0x0  }
0x16b: {  	[sflag:s13] =	ssyncadd.s32 $0xFFFFFF80  }
0x16c: {  	[hbm4b:s9+s2] =	stream.linear.scatter [tilespmem:s17], [sflag:$0x2], $0x80, $0x38;
	[tilespmem:$0xDB00] =	vst v63  }
0x16d: {  	s19 =	sadd.s32 $0x1, s19;
	_ =	swait.ge [sflag:s13], $0x80  }
0x16e: {  	p0 =	sne.s32 s19, s11;
	[sflag:s13] =	ssyncset.done $0x0  }
.Ltmp1:
0x16f: {  	[sflag:s13] =	ssyncadd.s32 $0xFFFFFF80;
	(pc) =	sbr.rel @p0 .LBB2_1-.Ltmp1, $4  }
0x170: {  	[hbm4b:s10+s2] =	stream.linear.scatter [tilespmem:s18], [sflag:$0x2], $0x80, $0x38;
	[tilespmem:$0xDB00] =	vst v63  }
0x171: {  	_ =	swait.ge [sflag:s13], $0x80  }
0x172: {  	[sflag:s13] =	ssyncset.done $0x0  }
0x173: {  	[sflag:s13] =	ssyncadd.s32 $0xFFFFFF80  }
0x174: {  	_ =	sfence.sel $0x180000  }
0x175: {  	[bflag:$0x0] =	sbarrier.arrive $0xFFFF  }
0x176: {  	p0 =	sne.s32 s0, $0x0;
	_ =	strace $0x90000047  }
0x177: {  	s0 =	sadd.s32 @!p0 $0x100000, s1;
	[bflag:$0x2] =	sbarrier.arrive $0xFFFF  }
0x178: {  	[sflag:s0] =	ssyncadd.tile.s32 @!p0 $0x1;
	_ =	shalt  }
.Lfunc_end2:
_tile_overlayer_lowered:
.L_overlay_start_2:
0x179: {  	(tag) =	ssettag $0x2  }
0x17a: {  	s0 =	rddreg [dreg:$0x0];
	s2 =	stileid.u32  }
0x17b: {  	s1 =	rddreg [dreg:$0x1];
	p0 =	sne.s32 s2, $0x0  }
0x17c: {  	s3 =	rddreg [dreg:$0x2];
	[bflag:$0x3] =	sbarrier.arrive $0xFFFF;
	s2 =	simm.s32 @!p0 $0x1C02  }
0x17d: {  	[timem:s3], [sflag:s2] =	dma.local @!p0 [hbm:s0], s1  }
0x17e: {  	s0 =	simm.s32 @!p0 $0x2  }
0x17f: {  	_ =	swait.ge @!p0 [sflag:s0], s1  }
0x180: {  	s1 =	ssub.s32 @!p0 $0x0, s1;
	[sflag:s0] =	ssyncset.done @!p0 $0x0  }
0x181: {  	[sflag:s0] =	ssyncadd.s32 @!p0 s1  }
0x182: {  	[bflag:$0x3] =	sbarrier.arrive $0xFFFF  }
0x183: {  	_ =	shalt  }

</sc_bundles>
